<compile_context>
chip_gen: v7x
topology: tpu7x:2x2x1
jax: 0.10.2.dev20260603
libtpu: 0.0.44.dev20260713+nightly
codegen_flags: <defaults>
</compile_context>

<pallas_src>
import functools

import jax
import jax.numpy as jnp
from jax import lax
from jax.experimental import pallas as pl
from jax.experimental.pallas import tpu as pltpu
from jax.experimental.pallas import tpu_sc as plsc

_B, _S, _D = 1024, 200, 64
_V = 1000000
_NT = 20
_GOFF = 16
_GLEN = _S - _GOFF
_TAIL = _S - _NT
_C0 = 96
_C1 = _GLEN - _C0
_L = 16
_CC = 768
_DP = _D + 1


@functools.cache
def _build(nc: int, ns: int):
    nw = nc * ns
    bpw = _B // nw
    tchunk = -(-_V // _CC)
    mesh = plsc.VectorSubcoreMesh(
        core_axis_name="c", subcore_axis_name="s",
        num_cores=nc, num_subcores=ns)
    sc_params = pltpu.CompilerParams(use_tc_tiling_on_sc=False,
                                     needs_layout_passes=False)

    @functools.partial(
        pl.kernel,
        out_type=jax.ShapeDtypeStruct((_V, _D), jnp.float32),
        mesh=mesh,
        scratch_types=[
            pltpu.VMEM((_D, _CC), jnp.float32),
            pltpu.VMEM((_CC, _DP), jnp.float32),
        ],
        compiler_params=sc_params,
    )
    def transpose_table(wtet_hbm, rows_hbm, in_v, out_v):
        wid = lax.axis_index("s") * nc + lax.axis_index("c")
        lo = lax.shift_right_logical(wid * tchunk, 5)
        hi = lax.shift_right_logical((wid + 1) * tchunk, 5)
        iota = lax.iota(jnp.int32, _L)

        def per_chunk(k, carry):
            off = pl.multiple_of(lax.min(k * _CC, _V - _CC), 8)
            pltpu.sync_copy(wtet_hbm.at[:, pl.ds(off, _CC)], in_v)

            def per_group(g, carry2):
                rowi = iota + g * _L
                for d0 in range(0, _D, 8):
                    vals = [in_v[d, pl.ds(g * _L, _L)]
                            for d in range(d0, d0 + 8)]
                    for e, d in enumerate(range(d0, d0 + 8)):
                        plsc.store_scatter(
                            out_v,
                            [rowi, lax.broadcast(jnp.int32(d), (_L,))],
                            vals[e])
                return carry2

            lax.fori_loop(0, _CC // _L, per_group, 0)
            pltpu.sync_copy(out_v.at[:, pl.ds(0, _D)],
                            rows_hbm.at[pl.ds(off, _CC)])
            return carry

        lax.fori_loop(lo, hi, per_chunk, 0)

    @functools.partial(
        pl.kernel,
        out_type=jax.ShapeDtypeStruct((_B * _S, _D), jnp.float32),
        mesh=mesh,
        scratch_types=[
            pltpu.VMEM((_GLEN,), jnp.int32),
            pltpu.VMEM((_GLEN, _D), jnp.float32),
            pltpu.VMEM((_NT, _D), jnp.float32),
            pltpu.SemaphoreType.DMA,
        ],
        compiler_params=sc_params,
    )
    def soft_embed(tok_hbm, rows_hbm, learned_hbm, out_hbm,
                   tok_v, rows_v, learned_v, sem):
        wid = lax.axis_index("s") * nc + lax.axis_index("c")
        base = wid * bpw
        pltpu.sync_copy(learned_hbm, learned_v)

        def body(i, carry):
            b = base + i
            pltpu.sync_copy(tok_hbm.at[pl.ds(b * _S + _GOFF, _GLEN)], tok_v)
            cp0 = pltpu.async_copy(
                rows_hbm.at[tok_v.at[pl.ds(0, _C0)]],
                rows_v.at[pl.ds(0, _C0)], sem)
            cp1 = pltpu.async_copy(
                rows_hbm.at[tok_v.at[pl.ds(_C0, _C1)]],
                rows_v.at[pl.ds(_C0, _C1)], sem)
            pltpu.sync_copy(
                learned_v, out_hbm.at[pl.ds(b * _S, _NT)])
            cp0.wait()
            cp1.wait()
            pltpu.sync_copy(
                rows_v.at[pl.ds(_NT - _GOFF, _TAIL)],
                out_hbm.at[pl.ds(b * _S + _NT, _TAIL)])
            return carry

        lax.fori_loop(0, bpw, body, 0)

    return transpose_table, soft_embed


def kernel(tokens, wte_weight, learned_embedding):
    info = plsc.get_sparse_core_info()
    transpose_table, soft_embed = _build(info.num_cores, info.num_subcores)
    table_rows = transpose_table(wte_weight.T)
    out = soft_embed(tokens.astype(jnp.int32).reshape(_B * _S),
                     table_rows,
                     learned_embedding)
    return out.reshape(_B, _S, _D)

# --- scband reference (transcript-rebuilt; emitter-appended) ---
"""Pipeline reference for scband-soft-embedding-30880814859043 (READ-ONLY COPY).

The authoritative reference and input builder live on the scoring server;
editing this copy changes nothing except your own understanding.
"""

import jax, jax.numpy as jnp
import numpy as np

VOCAB = 1000000
EMBED_DIM = 64
N_TOKENS = 20
BATCH = 1024
SEQ = 200


def setup_inputs(seed: int = 0) -> dict:
    key = jax.random.key(seed)
    k_tok, k_wte = jax.random.split(key, 2)
    tokens = jax.random.randint(k_tok, (BATCH, SEQ), 0, VOCAB, dtype=jnp.int64) if jax.config.jax_enable_x64 else jax.random.randint(k_tok, (BATCH, SEQ), 0, VOCAB, dtype=jnp.int32)
    wte_weight = jax.random.normal(k_wte, (VOCAB, EMBED_DIM), dtype=jnp.float32) * 0.02
    # initialize_from_vocab=True: learned embedding initialized from first n_tokens rows of wte
    learned_embedding = wte_weight[:N_TOKENS]
    return {"tokens": tokens, "wte_weight": wte_weight, "learned_embedding": learned_embedding}


def reference(tokens, wte_weight, learned_embedding):
    # input_embedding = self.wte(tokens[:, self.n_tokens:])
    input_embedding = jnp.take(wte_weight, tokens[:, N_TOKENS:], axis=0)
    # learned_embedding = self.learned_embedding.repeat(batch, 1, 1)
    batch = input_embedding.shape[0]
    learned = jnp.broadcast_to(learned_embedding[None, :, :], (batch, N_TOKENS, learned_embedding.shape[1]))
    # torch.cat([learned_embedding, input_embedding], 1)
    return jnp.concatenate([learned, input_embedding], axis=1)

if __name__ == "__main__":
    import jax
    _d = setup_inputs()
    print(jax.jit(kernel)(*tuple(_d.values())))

</pallas_src>

<mosaic_0001>
#map = affine_map<(d0, d1) -> (0, 0)>
module attributes {stable_mosaic.version = 14 : i64} {
  func.func @transpose_table(%arg0: i32, %arg1: i32, %arg2: memref<64x1000000xf32, #tpu.memory_space<hbm>>, %arg3: memref<1000000x64xf32, #tpu.memory_space<hbm>>, %arg4: memref<64x768xf32, #tpu.memory_space<vmem>>, %arg5: memref<768x65xf32, #tpu.memory_space<vmem>>) attributes {dimension_semantics = [#tpu.dimension_semantics<core_parallel>, #tpu.dimension_semantics<subcore_parallel>], iteration_bounds = array<i64: 2, 16>, scalar_prefetch = 0 : i64, scratch_operands = 2 : i64, tpu.core_type = #tpu.core_type<sc_vector_subcore>, window_params = [{transform_indices = #map}, {transform_indices = #map}]} {
    %mul3A = arith.constant 2 : i32
    %mul3A_0 = arith.muli %arg1, %mul3A : i32
    %add3A = arith.addi %mul3A_0, %arg0 : i32
    %mul3A_1 = arith.constant 1303 : i32
    %mul3A_2 = arith.muli %add3A, %mul3A_1 : i32
    %shift_right_logical3A = arith.constant 5 : i32
    %shift_right_logical3A_3 = arith.shrui %mul3A_2, %shift_right_logical3A : i32
    %add3A_4 = arith.constant 1 : i32
    %add3A_5 = arith.addi %add3A, %add3A_4 : i32
    %mul3A_6 = arith.constant 1303 : i32
    %mul3A_7 = arith.muli %add3A_5, %mul3A_6 : i32
    %shift_right_logical3A_8 = arith.constant 5 : i32
    %shift_right_logical3A_9 = arith.shrui %mul3A_7, %shift_right_logical3A_8 : i32
    %iota3A = tpu.iota {dimensions = array<i32: 0>} : vector<16xi32>
    %while3A = arith.constant 0 : i32
    %while3A_10 = arith.subi %shift_right_logical3A_9, %shift_right_logical3A_3 : i32
    %while3A_11 = arith.addi %shift_right_logical3A_3, %while3A_10 : i32
    %while3A_12 = arith.constant 1 : i32
    %while3A_13 = arith.divsi %while3A_10, %while3A_12 : i32
    %while3A_14 = arith.muli %while3A_13, %while3A_12 : i32
    %while3A_15 = arith.addi %shift_right_logical3A_3, %while3A_14 : i32
    %while3A_16 = arith.constant 1 : i32
    scf.for %while3A_18 = %shift_right_logical3A_3 to %while3A_15 step %while3A_16  : i32 {
      %mul3A_19 = arith.constant 768 : i32
      %mul3A_20 = arith.muli %while3A_18, %mul3A_19 : i32
      %min3A = arith.constant 999232 : i32
      %min3A_21 = arith.minsi %mul3A_20, %min3A : i32
      %multiple_of3A = tpu.assume_multiple %min3A_21, 8 : i32
      "tpu.region"() ({
        %run_scoped3A = tpu.sem_alloc : memref<!tpu.dma_semaphore, #tpu.memory_space<semaphore_mem>>
        %dma_start3A = arith.constant 0 : i32
        %dma_start3A_27 = tpu.memref_slice %arg2[%dma_start3A, %multiple_of3A] : memref<64x1000000xf32, #tpu.memory_space<hbm>> -> memref<64x768xf32, #tpu.memory_space<hbm>>
        %dma_start3A_28 = arith.constant 0 : i32
        %dma_start3A_29 = tpu.memref_slice %arg2[%dma_start3A_28, %multiple_of3A] : memref<64x1000000xf32, #tpu.memory_space<hbm>> -> memref<64x768xf32, #tpu.memory_space<hbm>>
        tpu.enqueue_dma source(%dma_start3A_29 : memref<64x768xf32, #tpu.memory_space<hbm>>) target(%arg4 : memref<64x768xf32, #tpu.memory_space<vmem>>) target_semaphore(%run_scoped3A : memref<!tpu.dma_semaphore, #tpu.memory_space<semaphore_mem>>)
        %dma_wait3A = arith.constant 0 : i32
        %dma_wait3A_30 = tpu.memref_slice %arg2[%dma_wait3A, %multiple_of3A] : memref<64x1000000xf32, #tpu.memory_space<hbm>> -> memref<64x768xf32, #tpu.memory_space<hbm>>
        %dma_wait3A_31 = arith.constant 0 : i32
        %dma_wait3A_32 = tpu.memref_slice %arg2[%dma_wait3A_31, %multiple_of3A] : memref<64x1000000xf32, #tpu.memory_space<hbm>> -> memref<64x768xf32, #tpu.memory_space<hbm>>
        tpu.wait_dma2 semaphore(%run_scoped3A : memref<!tpu.dma_semaphore, #tpu.memory_space<semaphore_mem>>) src(%dma_wait3A_32 : memref<64x768xf32, #tpu.memory_space<hbm>>) dst(%arg4 : memref<64x768xf32, #tpu.memory_space<vmem>>)
        tpu.yield
      }) : () -> ()
      %scan3A = arith.constant 0 : i32
      %scan3A_22 = arith.constant 0 : i32
      %scan3A_23 = arith.constant 48 : i32
      %scan3A_24 = arith.addi %scan3A_22, %scan3A_23 : i32
      %scan3A_25 = arith.constant 1 : i32
      scf.for %scan3A_27 = %scan3A_22 to %scan3A_24 step %scan3A_25  : i32 {
        %mul3A_28 = arith.constant 16 : i32
        %mul3A_29 = arith.muli %scan3A_27, %mul3A_28 : i32
        %add3A_30 = vector.broadcast %mul3A_29 : i32 to vector<16xi32>
        %add3A_31 = arith.addi %iota3A, %add3A_30 : vector<16xi32>
        %mul3A_32 = arith.constant 16 : i32
        %mul3A_33 = arith.muli %scan3A_27, %mul3A_32 : i32
        %get3A = arith.constant 0 : i32
        %get3A_34 = arith.index_cast %get3A : i32 to index
        %get3A_35 = arith.index_cast %mul3A_33 : i32 to index
        %get3A_36 = tpu.vector_load %arg4[%get3A_34, %get3A_35] {strides = array<i32>} : memref<64x768xf32, #tpu.memory_space<vmem>>, vector<16xf32>,
        %mul3A_37 = arith.constant 16 : i32
        %mul3A_38 = arith.muli %scan3A_27, %mul3A_37 : i32
        %get3A_39 = arith.constant 1 : i32
        %get3A_40 = arith.index_cast %get3A_39 : i32 to index
        %get3A_41 = arith.index_cast %mul3A_38 : i32 to index
        %get3A_42 = tpu.vector_load %arg4[%get3A_40, %get3A_41] {strides = array<i32>} : memref<64x768xf32, #tpu.memory_space<vmem>>, vector<16xf32>,
        %mul3A_43 = arith.constant 16 : i32
        %mul3A_44 = arith.muli %scan3A_27, %mul3A_43 : i32
        %get3A_45 = arith.constant 2 : i32
        %get3A_46 = arith.index_cast %get3A_45 : i32 to index
        %get3A_47 = arith.index_cast %mul3A_44 : i32 to index
        %get3A_48 = tpu.vector_load %arg4[%get3A_46, %get3A_47] {strides = array<i32>} : memref<64x768xf32, #tpu.memory_space<vmem>>, vector<16xf32>,
        %mul3A_49 = arith.constant 16 : i32
        %mul3A_50 = arith.muli %scan3A_27, %mul3A_49 : i32
        %get3A_51 = arith.constant 3 : i32
        %get3A_52 = arith.index_cast %get3A_51 : i32 to index
        %get3A_53 = arith.index_cast %mul3A_50 : i32 to index
        %get3A_54 = tpu.vector_load %arg4[%get3A_52, %get3A_53] {strides = array<i32>} : memref<64x768xf32, #tpu.memory_space<vmem>>, vector<16xf32>,
        %mul3A_55 = arith.constant 16 : i32
        %mul3A_56 = arith.muli %scan3A_27, %mul3A_55 : i32
        %get3A_57 = arith.constant 4 : i32
        %get3A_58 = arith.index_cast %get3A_57 : i32 to index
        %get3A_59 = arith.index_cast %mul3A_56 : i32 to index
        %get3A_60 = tpu.vector_load %arg4[%get3A_58, %get3A_59] {strides = array<i32>} : memref<64x768xf32, #tpu.memory_space<vmem>>, vector<16xf32>,
        %mul3A_61 = arith.constant 16 : i32
        %mul3A_62 = arith.muli %scan3A_27, %mul3A_61 : i32
        %get3A_63 = arith.constant 5 : i32
        %get3A_64 = arith.index_cast %get3A_63 : i32 to index
        %get3A_65 = arith.index_cast %mul3A_62 : i32 to index
        %get3A_66 = tpu.vector_load %arg4[%get3A_64, %get3A_65] {strides = array<i32>} : memref<64x768xf32, #tpu.memory_space<vmem>>, vector<16xf32>,
        %mul3A_67 = arith.constant 16 : i32
        %mul3A_68 = arith.muli %scan3A_27, %mul3A_67 : i32
        %get3A_69 = arith.constant 6 : i32
        %get3A_70 = arith.index_cast %get3A_69 : i32 to index
        %get3A_71 = arith.index_cast %mul3A_68 : i32 to index
        %get3A_72 = tpu.vector_load %arg4[%get3A_70, %get3A_71] {strides = array<i32>} : memref<64x768xf32, #tpu.memory_space<vmem>>, vector<16xf32>,
        %mul3A_73 = arith.constant 16 : i32
        %mul3A_74 = arith.muli %scan3A_27, %mul3A_73 : i32
        %get3A_75 = arith.constant 7 : i32
        %get3A_76 = arith.index_cast %get3A_75 : i32 to index
        %get3A_77 = arith.index_cast %mul3A_74 : i32 to index
        %get3A_78 = tpu.vector_load %arg4[%get3A_76, %get3A_77] {strides = array<i32>} : memref<64x768xf32, #tpu.memory_space<vmem>>, vector<16xf32>,
        %broadcast_in_dim3A = arith.constant 0 : i32
        %broadcast_in_dim3A_79 = vector.broadcast %broadcast_in_dim3A : i32 to vector<16xi32>
        tpu.vector_store_idx %arg5[%add3A_31, %broadcast_in_dim3A_79], %get3A_36 : memref<768x65xf32, #tpu.memory_space<vmem>>[vector<16xi32>, vector<16xi32>], vector<16xf32>,
        %broadcast_in_dim3A_80 = arith.constant 1 : i32
        %broadcast_in_dim3A_81 = vector.broadcast %broadcast_in_dim3A_80 : i32 to vector<16xi32>
        tpu.vector_store_idx %arg5[%add3A_31, %broadcast_in_dim3A_81], %get3A_42 : memref<768x65xf32, #tpu.memory_space<vmem>>[vector<16xi32>, vector<16xi32>], vector<16xf32>,
        %broadcast_in_dim3A_82 = arith.constant 2 : i32
        %broadcast_in_dim3A_83 = vector.broadcast %broadcast_in_dim3A_82 : i32 to vector<16xi32>
        tpu.vector_store_idx %arg5[%add3A_31, %broadcast_in_dim3A_83], %get3A_48 : memref<768x65xf32, #tpu.memory_space<vmem>>[vector<16xi32>, vector<16xi32>], vector<16xf32>,
        %broadcast_in_dim3A_84 = arith.constant 3 : i32
        %broadcast_in_dim3A_85 = vector.broadcast %broadcast_in_dim3A_84 : i32 to vector<16xi32>
        tpu.vector_store_idx %arg5[%add3A_31, %broadcast_in_dim3A_85], %get3A_54 : memref<768x65xf32, #tpu.memory_space<vmem>>[vector<16xi32>, vector<16xi32>], vector<16xf32>,
        %broadcast_in_dim3A_86 = arith.constant 4 : i32
        %broadcast_in_dim3A_87 = vector.broadcast %broadcast_in_dim3A_86 : i32 to vector<16xi32>
        tpu.vector_store_idx %arg5[%add3A_31, %broadcast_in_dim3A_87], %get3A_60 : memref<768x65xf32, #tpu.memory_space<vmem>>[vector<16xi32>, vector<16xi32>], vector<16xf32>,
        %broadcast_in_dim3A_88 = arith.constant 5 : i32
        %broadcast_in_dim3A_89 = vector.broadcast %broadcast_in_dim3A_88 : i32 to vector<16xi32>
        tpu.vector_store_idx %arg5[%add3A_31, %broadcast_in_dim3A_89], %get3A_66 : memref<768x65xf32, #tpu.memory_space<vmem>>[vector<16xi32>, vector<16xi32>], vector<16xf32>,
        %broadcast_in_dim3A_90 = arith.constant 6 : i32
        %broadcast_in_dim3A_91 = vector.broadcast %broadcast_in_dim3A_90 : i32 to vector<16xi32>
        tpu.vector_store_idx %arg5[%add3A_31, %broadcast_in_dim3A_91], %get3A_72 : memref<768x65xf32, #tpu.memory_space<vmem>>[vector<16xi32>, vector<16xi32>], vector<16xf32>,
        %broadcast_in_dim3A_92 = arith.constant 7 : i32
        %broadcast_in_dim3A_93 = vector.broadcast %broadcast_in_dim3A_92 : i32 to vector<16xi32>
        tpu.vector_store_idx %arg5[%add3A_31, %broadcast_in_dim3A_93], %get3A_78 : memref<768x65xf32, #tpu.memory_space<vmem>>[vector<16xi32>, vector<16xi32>], vector<16xf32>,
        %mul3A_94 = arith.constant 16 : i32
        %mul3A_95 = arith.muli %scan3A_27, %mul3A_94 : i32
        %get3A_96 = arith.constant 8 : i32
        %get3A_97 = arith.index_cast %get3A_96 : i32 to index
        %get3A_98 = arith.index_cast %mul3A_95 : i32 to index
        %get3A_99 = tpu.vector_load %arg4[%get3A_97, %get3A_98] {strides = array<i32>} : memref<64x768xf32, #tpu.memory_space<vmem>>, vector<16xf32>,
        %mul3A_100 = arith.constant 16 : i32
        %mul3A_101 = arith.muli %scan3A_27, %mul3A_100 : i32
        %get3A_102 = arith.constant 9 : i32
        %get3A_103 = arith.index_cast %get3A_102 : i32 to index
        %get3A_104 = arith.index_cast %mul3A_101 : i32 to index
        %get3A_105 = tpu.vector_load %arg4[%get3A_103, %get3A_104] {strides = array<i32>} : memref<64x768xf32, #tpu.memory_space<vmem>>, vector<16xf32>,
        %mul3A_106 = arith.constant 16 : i32
        %mul3A_107 = arith.muli %scan3A_27, %mul3A_106 : i32
        %get3A_108 = arith.constant 10 : i32
        %get3A_109 = arith.index_cast %get3A_108 : i32 to index
        %get3A_110 = arith.index_cast %mul3A_107 : i32 to index
        %get3A_111 = tpu.vector_load %arg4[%get3A_109, %get3A_110] {strides = array<i32>} : memref<64x768xf32, #tpu.memory_space<vmem>>, vector<16xf32>,
        %mul3A_112 = arith.constant 16 : i32
        %mul3A_113 = arith.muli %scan3A_27, %mul3A_112 : i32
        %get3A_114 = arith.constant 11 : i32
        %get3A_115 = arith.index_cast %get3A_114 : i32 to index
        %get3A_116 = arith.index_cast %mul3A_113 : i32 to index
        %get3A_117 = tpu.vector_load %arg4[%get3A_115, %get3A_116] {strides = array<i32>} : memref<64x768xf32, #tpu.memory_space<vmem>>, vector<16xf32>,
        %mul3A_118 = arith.constant 16 : i32
        %mul3A_119 = arith.muli %scan3A_27, %mul3A_118 : i32
        %get3A_120 = arith.constant 12 : i32
        %get3A_121 = arith.index_cast %get3A_120 : i32 to index
        %get3A_122 = arith.index_cast %mul3A_119 : i32 to index
        %get3A_123 = tpu.vector_load %arg4[%get3A_121, %get3A_122] {strides = array<i32>} : memref<64x768xf32, #tpu.memory_space<vmem>>, vector<16xf32>,
        %mul3A_124 = arith.constant 16 : i32
        %mul3A_125 = arith.muli %scan3A_27, %mul3A_124 : i32
        %get3A_126 = arith.constant 13 : i32
        %get3A_127 = arith.index_cast %get3A_126 : i32 to index
        %get3A_128 = arith.index_cast %mul3A_125 : i32 to index
        %get3A_129 = tpu.vector_load %arg4[%get3A_127, %get3A_128] {strides = array<i32>} : memref<64x768xf32, #tpu.memory_space<vmem>>, vector<16xf32>,
        %mul3A_130 = arith.constant 16 : i32
        %mul3A_131 = arith.muli %scan3A_27, %mul3A_130 : i32
        %get3A_132 = arith.constant 14 : i32
        %get3A_133 = arith.index_cast %get3A_132 : i32 to index
        %get3A_134 = arith.index_cast %mul3A_131 : i32 to index
        %get3A_135 = tpu.vector_load %arg4[%get3A_133, %get3A_134] {strides = array<i32>} : memref<64x768xf32, #tpu.memory_space<vmem>>, vector<16xf32>,
        %mul3A_136 = arith.constant 16 : i32
        %mul3A_137 = arith.muli %scan3A_27, %mul3A_136 : i32
        %get3A_138 = arith.constant 15 : i32
        %get3A_139 = arith.index_cast %get3A_138 : i32 to index
        %get3A_140 = arith.index_cast %mul3A_137 : i32 to index
        %get3A_141 = tpu.vector_load %arg4[%get3A_139, %get3A_140] {strides = array<i32>} : memref<64x768xf32, #tpu.memory_space<vmem>>, vector<16xf32>,
        %broadcast_in_dim3A_142 = arith.constant 8 : i32
        %broadcast_in_dim3A_143 = vector.broadcast %broadcast_in_dim3A_142 : i32 to vector<16xi32>
        tpu.vector_store_idx %arg5[%add3A_31, %broadcast_in_dim3A_143], %get3A_99 : memref<768x65xf32, #tpu.memory_space<vmem>>[vector<16xi32>, vector<16xi32>], vector<16xf32>,
        %broadcast_in_dim3A_144 = arith.constant 9 : i32
        %broadcast_in_dim3A_145 = vector.broadcast %broadcast_in_dim3A_144 : i32 to vector<16xi32>
        tpu.vector_store_idx %arg5[%add3A_31, %broadcast_in_dim3A_145], %get3A_105 : memref<768x65xf32, #tpu.memory_space<vmem>>[vector<16xi32>, vector<16xi32>], vector<16xf32>,
        %broadcast_in_dim3A_146 = arith.constant 10 : i32
        %broadcast_in_dim3A_147 = vector.broadcast %broadcast_in_dim3A_146 : i32 to vector<16xi32>
        tpu.vector_store_idx %arg5[%add3A_31, %broadcast_in_dim3A_147], %get3A_111 : memref<768x65xf32, #tpu.memory_space<vmem>>[vector<16xi32>, vector<16xi32>], vector<16xf32>,
        %broadcast_in_dim3A_148 = arith.constant 11 : i32
        %broadcast_in_dim3A_149 = vector.broadcast %broadcast_in_dim3A_148 : i32 to vector<16xi32>
        tpu.vector_store_idx %arg5[%add3A_31, %broadcast_in_dim3A_149], %get3A_117 : memref<768x65xf32, #tpu.memory_space<vmem>>[vector<16xi32>, vector<16xi32>], vector<16xf32>,
        %broadcast_in_dim3A_150 = arith.constant 12 : i32
        %broadcast_in_dim3A_151 = vector.broadcast %broadcast_in_dim3A_150 : i32 to vector<16xi32>
        tpu.vector_store_idx %arg5[%add3A_31, %broadcast_in_dim3A_151], %get3A_123 : memref<768x65xf32, #tpu.memory_space<vmem>>[vector<16xi32>, vector<16xi32>], vector<16xf32>,
        %broadcast_in_dim3A_152 = arith.constant 13 : i32
        %broadcast_in_dim3A_153 = vector.broadcast %broadcast_in_dim3A_152 : i32 to vector<16xi32>
        tpu.vector_store_idx %arg5[%add3A_31, %broadcast_in_dim3A_153], %get3A_129 : memref<768x65xf32, #tpu.memory_space<vmem>>[vector<16xi32>, vector<16xi32>], vector<16xf32>,
        %broadcast_in_dim3A_154 = arith.constant 14 : i32
        %broadcast_in_dim3A_155 = vector.broadcast %broadcast_in_dim3A_154 : i32 to vector<16xi32>
        tpu.vector_store_idx %arg5[%add3A_31, %broadcast_in_dim3A_155], %get3A_135 : memref<768x65xf32, #tpu.memory_space<vmem>>[vector<16xi32>, vector<16xi32>], vector<16xf32>,
        %broadcast_in_dim3A_156 = arith.constant 15 : i32
        %broadcast_in_dim3A_157 = vector.broadcast %broadcast_in_dim3A_156 : i32 to vector<16xi32>
        tpu.vector_store_idx %arg5[%add3A_31, %broadcast_in_dim3A_157], %get3A_141 : memref<768x65xf32, #tpu.memory_space<vmem>>[vector<16xi32>, vector<16xi32>], vector<16xf32>,
        %mul3A_158 = arith.constant 16 : i32
        %mul3A_159 = arith.muli %scan3A_27, %mul3A_158 : i32
        %get3A_160 = arith.constant 16 : i32
        %get3A_161 = arith.index_cast %get3A_160 : i32 to index
        %get3A_162 = arith.index_cast %mul3A_159 : i32 to index
        %get3A_163 = tpu.vector_load %arg4[%get3A_161, %get3A_162] {strides = array<i32>} : memref<64x768xf32, #tpu.memory_space<vmem>>, vector<16xf32>,
        %mul3A_164 = arith.constant 16 : i32
        %mul3A_165 = arith.muli %scan3A_27, %mul3A_164 : i32
        %get3A_166 = arith.constant 17 : i32
        %get3A_167 = arith.index_cast %get3A_166 : i32 to index
        %get3A_168 = arith.index_cast %mul3A_165 : i32 to index
        %get3A_169 = tpu.vector_load %arg4[%get3A_167, %get3A_168] {strides = array<i32>} : memref<64x768xf32, #tpu.memory_space<vmem>>, vector<16xf32>,
        %mul3A_170 = arith.constant 16 : i32
        %mul3A_171 = arith.muli %scan3A_27, %mul3A_170 : i32
        %get3A_172 = arith.constant 18 : i32
        %get3A_173 = arith.index_cast %get3A_172 : i32 to index
        %get3A_174 = arith.index_cast %mul3A_171 : i32 to index
        %get3A_175 = tpu.vector_load %arg4[%get3A_173, %get3A_174] {strides = array<i32>} : memref<64x768xf32, #tpu.memory_space<vmem>>, vector<16xf32>,
        %mul3A_176 = arith.constant 16 : i32
        %mul3A_177 = arith.muli %scan3A_27, %mul3A_176 : i32
        %get3A_178 = arith.constant 19 : i32
        %get3A_179 = arith.index_cast %get3A_178 : i32 to index
        %get3A_180 = arith.index_cast %mul3A_177 : i32 to index
        %get3A_181 = tpu.vector_load %arg4[%get3A_179, %get3A_180] {strides = array<i32>} : memref<64x768xf32, #tpu.memory_space<vmem>>, vector<16xf32>,
        %mul3A_182 = arith.constant 16 : i32
        %mul3A_183 = arith.muli %scan3A_27, %mul3A_182 : i32
        %get3A_184 = arith.constant 20 : i32
        %get3A_185 = arith.index_cast %get3A_184 : i32 to index
        %get3A_186 = arith.index_cast %mul3A_183 : i32 to index
        %get3A_187 = tpu.vector_load %arg4[%get3A_185, %get3A_186] {strides = array<i32>} : memref<64x768xf32, #tpu.memory_space<vmem>>, vector<16xf32>,
        %mul3A_188 = arith.constant 16 : i32
        %mul3A_189 = arith.muli %scan3A_27, %mul3A_188 : i32
        %get3A_190 = arith.constant 21 : i32
        %get3A_191 = arith.index_cast %get3A_190 : i32 to index
        %get3A_192 = arith.index_cast %mul3A_189 : i32 to index
        %get3A_193 = tpu.vector_load %arg4[%get3A_191, %get3A_192] {strides = array<i32>} : memref<64x768xf32, #tpu.memory_space<vmem>>, vector<16xf32>,
        %mul3A_194 = arith.constant 16 : i32
        %mul3A_195 = arith.muli %scan3A_27, %mul3A_194 : i32
        %get3A_196 = arith.constant 22 : i32
        %get3A_197 = arith.index_cast %get3A_196 : i32 to index
        %get3A_198 = arith.index_cast %mul3A_195 : i32 to index
        %get3A_199 = tpu.vector_load %arg4[%get3A_197, %get3A_198] {strides = array<i32>} : memref<64x768xf32, #tpu.memory_space<vmem>>, vector<16xf32>,
        %mul3A_200 = arith.constant 16 : i32
        %mul3A_201 = arith.muli %scan3A_27, %mul3A_200 : i32
        %get3A_202 = arith.constant 23 : i32
        %get3A_203 = arith.index_cast %get3A_202 : i32 to index
        %get3A_204 = arith.index_cast %mul3A_201 : i32 to index
        %get3A_205 = tpu.vector_load %arg4[%get3A_203, %get3A_204] {strides = array<i32>} : memref<64x768xf32, #tpu.memory_space<vmem>>, vector<16xf32>,
        %broadcast_in_dim3A_206 = arith.constant 16 : i32
        %broadcast_in_dim3A_207 = vector.broadcast %broadcast_in_dim3A_206 : i32 to vector<16xi32>
        tpu.vector_store_idx %arg5[%add3A_31, %broadcast_in_dim3A_207], %get3A_163 : memref<768x65xf32, #tpu.memory_space<vmem>>[vector<16xi32>, vector<16xi32>], vector<16xf32>,
        %broadcast_in_dim3A_208 = arith.constant 17 : i32
        %broadcast_in_dim3A_209 = vector.broadcast %broadcast_in_dim3A_208 : i32 to vector<16xi32>
        tpu.vector_store_idx %arg5[%add3A_31, %broadcast_in_dim3A_209], %get3A_169 : memref<768x65xf32, #tpu.memory_space<vmem>>[vector<16xi32>, vector<16xi32>], vector<16xf32>,
        %broadcast_in_dim3A_210 = arith.constant 18 : i32
        %broadcast_in_dim3A_211 = vector.broadcast %broadcast_in_dim3A_210 : i32 to vector<16xi32>
        tpu.vector_store_idx %arg5[%add3A_31, %broadcast_in_dim3A_211], %get3A_175 : memref<768x65xf32, #tpu.memory_space<vmem>>[vector<16xi32>, vector<16xi32>], vector<16xf32>,
        %broadcast_in_dim3A_212 = arith.constant 19 : i32
        %broadcast_in_dim3A_213 = vector.broadcast %broadcast_in_dim3A_212 : i32 to vector<16xi32>
        tpu.vector_store_idx %arg5[%add3A_31, %broadcast_in_dim3A_213], %get3A_181 : memref<768x65xf32, #tpu.memory_space<vmem>>[vector<16xi32>, vector<16xi32>], vector<16xf32>,
        %broadcast_in_dim3A_214 = arith.constant 20 : i32
        %broadcast_in_dim3A_215 = vector.broadcast %broadcast_in_dim3A_214 : i32 to vector<16xi32>
        tpu.vector_store_idx %arg5[%add3A_31, %broadcast_in_dim3A_215], %get3A_187 : memref<768x65xf32, #tpu.memory_space<vmem>>[vector<16xi32>, vector<16xi32>], vector<16xf32>,
        %broadcast_in_dim3A_216 = arith.constant 21 : i32
        %broadcast_in_dim3A_217 = vector.broadcast %broadcast_in_dim3A_216 : i32 to vector<16xi32>
        tpu.vector_store_idx %arg5[%add3A_31, %broadcast_in_dim3A_217], %get3A_193 : memref<768x65xf32, #tpu.memory_space<vmem>>[vector<16xi32>, vector<16xi32>], vector<16xf32>,
        %broadcast_in_dim3A_218 = arith.constant 22 : i32
        %broadcast_in_dim3A_219 = vector.broadcast %broadcast_in_dim3A_218 : i32 to vector<16xi32>
        tpu.vector_store_idx %arg5[%add3A_31, %broadcast_in_dim3A_219], %get3A_199 : memref<768x65xf32, #tpu.memory_space<vmem>>[vector<16xi32>, vector<16xi32>], vector<16xf32>,
        %broadcast_in_dim3A_220 = arith.constant 23 : i32
        %broadcast_in_dim3A_221 = vector.broadcast %broadcast_in_dim3A_220 : i32 to vector<16xi32>
        tpu.vector_store_idx %arg5[%add3A_31, %broadcast_in_dim3A_221], %get3A_205 : memref<768x65xf32, #tpu.memory_space<vmem>>[vector<16xi32>, vector<16xi32>], vector<16xf32>,
        %mul3A_222 = arith.constant 16 : i32
        %mul3A_223 = arith.muli %scan3A_27, %mul3A_222 : i32
        %get3A_224 = arith.constant 24 : i32
        %get3A_225 = arith.index_cast %get3A_224 : i32 to index
        %get3A_226 = arith.index_cast %mul3A_223 : i32 to index
        %get3A_227 = tpu.vector_load %arg4[%get3A_225, %get3A_226] {strides = array<i32>} : memref<64x768xf32, #tpu.memory_space<vmem>>, vector<16xf32>,
        %mul3A_228 = arith.constant 16 : i32
        %mul3A_229 = arith.muli %scan3A_27, %mul3A_228 : i32
        %get3A_230 = arith.constant 25 : i32
        %get3A_231 = arith.index_cast %get3A_230 : i32 to index
        %get3A_232 = arith.index_cast %mul3A_229 : i32 to index
        %get3A_233 = tpu.vector_load %arg4[%get3A_231, %get3A_232] {strides = array<i32>} : memref<64x768xf32, #tpu.memory_space<vmem>>, vector<16xf32>,
        %mul3A_234 = arith.constant 16 : i32
        %mul3A_235 = arith.muli %scan3A_27, %mul3A_234 : i32
        %get3A_236 = arith.constant 26 : i32
        %get3A_237 = arith.index_cast %get3A_236 : i32 to index
        %get3A_238 = arith.index_cast %mul3A_235 : i32 to index
        %get3A_239 = tpu.vector_load %arg4[%get3A_237, %get3A_238] {strides = array<i32>} : memref<64x768xf32, #tpu.memory_space<vmem>>, vector<16xf32>,
        %mul3A_240 = arith.constant 16 : i32
        %mul3A_241 = arith.muli %scan3A_27, %mul3A_240 : i32
        %get3A_242 = arith.constant 27 : i32
        %get3A_243 = arith.index_cast %get3A_242 : i32 to index
        %get3A_244 = arith.index_cast %mul3A_241 : i32 to index
        %get3A_245 = tpu.vector_load %arg4[%get3A_243, %get3A_244] {strides = array<i32>} : memref<64x768xf32, #tpu.memory_space<vmem>>, vector<16xf32>,
        %mul3A_246 = arith.constant 16 : i32
        %mul3A_247 = arith.muli %scan3A_27, %mul3A_246 : i32
        %get3A_248 = arith.constant 28 : i32
        %get3A_249 = arith.index_cast %get3A_248 : i32 to index
        %get3A_250 = arith.index_cast %mul3A_247 : i32 to index
        %get3A_251 = tpu.vector_load %arg4[%get3A_249, %get3A_250] {strides = array<i32>} : memref<64x768xf32, #tpu.memory_space<vmem>>, vector<16xf32>,
        %mul3A_252 = arith.constant 16 : i32
        %mul3A_253 = arith.muli %scan3A_27, %mul3A_252 : i32
        %get3A_254 = arith.constant 29 : i32
        %get3A_255 = arith.index_cast %get3A_254 : i32 to index
        %get3A_256 = arith.index_cast %mul3A_253 : i32 to index
        %get3A_257 = tpu.vector_load %arg4[%get3A_255, %get3A_256] {strides = array<i32>} : memref<64x768xf32, #tpu.memory_space<vmem>>, vector<16xf32>,
        %mul3A_258 = arith.constant 16 : i32
        %mul3A_259 = arith.muli %scan3A_27, %mul3A_258 : i32
        %get3A_260 = arith.constant 30 : i32
        %get3A_261 = arith.index_cast %get3A_260 : i32 to index
        %get3A_262 = arith.index_cast %mul3A_259 : i32 to index
        %get3A_263 = tpu.vector_load %arg4[%get3A_261, %get3A_262] {strides = array<i32>} : memref<64x768xf32, #tpu.memory_space<vmem>>, vector<16xf32>,
        %mul3A_264 = arith.constant 16 : i32
        %mul3A_265 = arith.muli %scan3A_27, %mul3A_264 : i32
        %get3A_266 = arith.constant 31 : i32
        %get3A_267 = arith.index_cast %get3A_266 : i32 to index
        %get3A_268 = arith.index_cast %mul3A_265 : i32 to index
        %get3A_269 = tpu.vector_load %arg4[%get3A_267, %get3A_268] {strides = array<i32>} : memref<64x768xf32, #tpu.memory_space<vmem>>, vector<16xf32>,
        %broadcast_in_dim3A_270 = arith.constant 24 : i32
        %broadcast_in_dim3A_271 = vector.broadcast %broadcast_in_dim3A_270 : i32 to vector<16xi32>
        tpu.vector_store_idx %arg5[%add3A_31, %broadcast_in_dim3A_271], %get3A_227 : memref<768x65xf32, #tpu.memory_space<vmem>>[vector<16xi32>, vector<16xi32>], vector<16xf32>,
        %broadcast_in_dim3A_272 = arith.constant 25 : i32
        %broadcast_in_dim3A_273 = vector.broadcast %broadcast_in_dim3A_272 : i32 to vector<16xi32>
        tpu.vector_store_idx %arg5[%add3A_31, %broadcast_in_dim3A_273], %get3A_233 : memref<768x65xf32, #tpu.memory_space<vmem>>[vector<16xi32>, vector<16xi32>], vector<16xf32>,
        %broadcast_in_dim3A_274 = arith.constant 26 : i32
        %broadcast_in_dim3A_275 = vector.broadcast %broadcast_in_dim3A_274 : i32 to vector<16xi32>
        tpu.vector_store_idx %arg5[%add3A_31, %broadcast_in_dim3A_275], %get3A_239 : memref<768x65xf32, #tpu.memory_space<vmem>>[vector<16xi32>, vector<16xi32>], vector<16xf32>,
        %broadcast_in_dim3A_276 = arith.constant 27 : i32
        %broadcast_in_dim3A_277 = vector.broadcast %broadcast_in_dim3A_276 : i32 to vector<16xi32>
        tpu.vector_store_idx %arg5[%add3A_31, %broadcast_in_dim3A_277], %get3A_245 : memref<768x65xf32, #tpu.memory_space<vmem>>[vector<16xi32>, vector<16xi32>], vector<16xf32>,
        %broadcast_in_dim3A_278 = arith.constant 28 : i32
        %broadcast_in_dim3A_279 = vector.broadcast %broadcast_in_dim3A_278 : i32 to vector<16xi32>
        tpu.vector_store_idx %arg5[%add3A_31, %broadcast_in_dim3A_279], %get3A_251 : memref<768x65xf32, #tpu.memory_space<vmem>>[vector<16xi32>, vector<16xi32>], vector<16xf32>,
        %broadcast_in_dim3A_280 = arith.constant 29 : i32
        %broadcast_in_dim3A_281 = vector.broadcast %broadcast_in_dim3A_280 : i32 to vector<16xi32>
        tpu.vector_store_idx %arg5[%add3A_31, %broadcast_in_dim3A_281], %get3A_257 : memref<768x65xf32, #tpu.memory_space<vmem>>[vector<16xi32>, vector<16xi32>], vector<16xf32>,
        %broadcast_in_dim3A_282 = arith.constant 30 : i32
        %broadcast_in_dim3A_283 = vector.broadcast %broadcast_in_dim3A_282 : i32 to vector<16xi32>
        tpu.vector_store_idx %arg5[%add3A_31, %broadcast_in_dim3A_283], %get3A_263 : memref<768x65xf32, #tpu.memory_space<vmem>>[vector<16xi32>, vector<16xi32>], vector<16xf32>,
        %broadcast_in_dim3A_284 = arith.constant 31 : i32
        %broadcast_in_dim3A_285 = vector.broadcast %broadcast_in_dim3A_284 : i32 to vector<16xi32>
        tpu.vector_store_idx %arg5[%add3A_31, %broadcast_in_dim3A_285], %get3A_269 : memref<768x65xf32, #tpu.memory_space<vmem>>[vector<16xi32>, vector<16xi32>], vector<16xf32>,
        %mul3A_286 = arith.constant 16 : i32
        %mul3A_287 = arith.muli %scan3A_27, %mul3A_286 : i32
        %get3A_288 = arith.constant 32 : i32
        %get3A_289 = arith.index_cast %get3A_288 : i32 to index
        %get3A_290 = arith.index_cast %mul3A_287 : i32 to index
        %get3A_291 = tpu.vector_load %arg4[%get3A_289, %get3A_290] {strides = array<i32>} : memref<64x768xf32, #tpu.memory_space<vmem>>, vector<16xf32>,
        %mul3A_292 = arith.constant 16 : i32
        %mul3A_293 = arith.muli %scan3A_27, %mul3A_292 : i32
        %get3A_294 = arith.constant 33 : i32
        %get3A_295 = arith.index_cast %get3A_294 : i32 to index
        %get3A_296 = arith.index_cast %mul3A_293 : i32 to index
        %get3A_297 = tpu.vector_load %arg4[%get3A_295, %get3A_296] {strides = array<i32>} : memref<64x768xf32, #tpu.memory_space<vmem>>, vector<16xf32>,
        %mul3A_298 = arith.constant 16 : i32
        %mul3A_299 = arith.muli %scan3A_27, %mul3A_298 : i32
        %get3A_300 = arith.constant 34 : i32
        %get3A_301 = arith.index_cast %get3A_300 : i32 to index
        %get3A_302 = arith.index_cast %mul3A_299 : i32 to index
        %get3A_303 = tpu.vector_load %arg4[%get3A_301, %get3A_302] {strides = array<i32>} : memref<64x768xf32, #tpu.memory_space<vmem>>, vector<16xf32>,
        %mul3A_304 = arith.constant 16 : i32
        %mul3A_305 = arith.muli %scan3A_27, %mul3A_304 : i32
        %get3A_306 = arith.constant 35 : i32
        %get3A_307 = arith.index_cast %get3A_306 : i32 to index
        %get3A_308 = arith.index_cast %mul3A_305 : i32 to index
        %get3A_309 = tpu.vector_load %arg4[%get3A_307, %get3A_308] {strides = array<i32>} : memref<64x768xf32, #tpu.memory_space<vmem>>, vector<16xf32>,
        %mul3A_310 = arith.constant 16 : i32
        %mul3A_311 = arith.muli %scan3A_27, %mul3A_310 : i32
        %get3A_312 = arith.constant 36 : i32
        %get3A_313 = arith.index_cast %get3A_312 : i32 to index
        %get3A_314 = arith.index_cast %mul3A_311 : i32 to index
        %get3A_315 = tpu.vector_load %arg4[%get3A_313, %get3A_314] {strides = array<i32>} : memref<64x768xf32, #tpu.memory_space<vmem>>, vector<16xf32>,
        %mul3A_316 = arith.constant 16 : i32
        %mul3A_317 = arith.muli %scan3A_27, %mul3A_316 : i32
        %get3A_318 = arith.constant 37 : i32
        %get3A_319 = arith.index_cast %get3A_318 : i32 to index
        %get3A_320 = arith.index_cast %mul3A_317 : i32 to index
        %get3A_321 = tpu.vector_load %arg4[%get3A_319, %get3A_320] {strides = array<i32>} : memref<64x768xf32, #tpu.memory_space<vmem>>, vector<16xf32>,
        %mul3A_322 = arith.constant 16 : i32
        %mul3A_323 = arith.muli %scan3A_27, %mul3A_322 : i32
        %get3A_324 = arith.constant 38 : i32
        %get3A_325 = arith.index_cast %get3A_324 : i32 to index
        %get3A_326 = arith.index_cast %mul3A_323 : i32 to index
        %get3A_327 = tpu.vector_load %arg4[%get3A_325, %get3A_326] {strides = array<i32>} : memref<64x768xf32, #tpu.memory_space<vmem>>, vector<16xf32>,
        %mul3A_328 = arith.constant 16 : i32
        %mul3A_329 = arith.muli %scan3A_27, %mul3A_328 : i32
        %get3A_330 = arith.constant 39 : i32
        %get3A_331 = arith.index_cast %get3A_330 : i32 to index
        %get3A_332 = arith.index_cast %mul3A_329 : i32 to index
        %get3A_333 = tpu.vector_load %arg4[%get3A_331, %get3A_332] {strides = array<i32>} : memref<64x768xf32, #tpu.memory_space<vmem>>, vector<16xf32>,
        %broadcast_in_dim3A_334 = arith.constant 32 : i32
        %broadcast_in_dim3A_335 = vector.broadcast %broadcast_in_dim3A_334 : i32 to vector<16xi32>
        tpu.vector_store_idx %arg5[%add3A_31, %broadcast_in_dim3A_335], %get3A_291 : memref<768x65xf32, #tpu.memory_space<vmem>>[vector<16xi32>, vector<16xi32>], vector<16xf32>,
        %broadcast_in_dim3A_336 = arith.constant 33 : i32
        %broadcast_in_dim3A_337 = vector.broadcast %broadcast_in_dim3A_336 : i32 to vector<16xi32>
        tpu.vector_store_idx %arg5[%add3A_31, %broadcast_in_dim3A_337], %get3A_297 : memref<768x65xf32, #tpu.memory_space<vmem>>[vector<16xi32>, vector<16xi32>], vector<16xf32>,
        %broadcast_in_dim3A_338 = arith.constant 34 : i32
        %broadcast_in_dim3A_339 = vector.broadcast %broadcast_in_dim3A_338 : i32 to vector<16xi32>
        tpu.vector_store_idx %arg5[%add3A_31, %broadcast_in_dim3A_339], %get3A_303 : memref<768x65xf32, #tpu.memory_space<vmem>>[vector<16xi32>, vector<16xi32>], vector<16xf32>,
        %broadcast_in_dim3A_340 = arith.constant 35 : i32
        %broadcast_in_dim3A_341 = vector.broadcast %broadcast_in_dim3A_340 : i32 to vector<16xi32>
        tpu.vector_store_idx %arg5[%add3A_31, %broadcast_in_dim3A_341], %get3A_309 : memref<768x65xf32, #tpu.memory_space<vmem>>[vector<16xi32>, vector<16xi32>], vector<16xf32>,
        %broadcast_in_dim3A_342 = arith.constant 36 : i32
        %broadcast_in_dim3A_343 = vector.broadcast %broadcast_in_dim3A_342 : i32 to vector<16xi32>
        tpu.vector_store_idx %arg5[%add3A_31, %broadcast_in_dim3A_343], %get3A_315 : memref<768x65xf32, #tpu.memory_space<vmem>>[vector<16xi32>, vector<16xi32>], vector<16xf32>,
        %broadcast_in_dim3A_344 = arith.constant 37 : i32
        %broadcast_in_dim3A_345 = vector.broadcast %broadcast_in_dim3A_344 : i32 to vector<16xi32>
        tpu.vector_store_idx %arg5[%add3A_31, %broadcast_in_dim3A_345], %get3A_321 : memref<768x65xf32, #tpu.memory_space<vmem>>[vector<16xi32>, vector<16xi32>], vector<16xf32>,
        %broadcast_in_dim3A_346 = arith.constant 38 : i32
        %broadcast_in_dim3A_347 = vector.broadcast %broadcast_in_dim3A_346 : i32 to vector<16xi32>
        tpu.vector_store_idx %arg5[%add3A_31, %broadcast_in_dim3A_347], %get3A_327 : memref<768x65xf32, #tpu.memory_space<vmem>>[vector<16xi32>, vector<16xi32>], vector<16xf32>,
        %broadcast_in_dim3A_348 = arith.constant 39 : i32
        %broadcast_in_dim3A_349 = vector.broadcast %broadcast_in_dim3A_348 : i32 to vector<16xi32>
        tpu.vector_store_idx %arg5[%add3A_31, %broadcast_in_dim3A_349], %get3A_333 : memref<768x65xf32, #tpu.memory_space<vmem>>[vector<16xi32>, vector<16xi32>], vector<16xf32>,
        %mul3A_350 = arith.constant 16 : i32
        %mul3A_351 = arith.muli %scan3A_27, %mul3A_350 : i32
        %get3A_352 = arith.constant 40 : i32
        %get3A_353 = arith.index_cast %get3A_352 : i32 to index
        %get3A_354 = arith.index_cast %mul3A_351 : i32 to index
        %get3A_355 = tpu.vector_load %arg4[%get3A_353, %get3A_354] {strides = array<i32>} : memref<64x768xf32, #tpu.memory_space<vmem>>, vector<16xf32>,
        %mul3A_356 = arith.constant 16 : i32
        %mul3A_357 = arith.muli %scan3A_27, %mul3A_356 : i32
        %get3A_358 = arith.constant 41 : i32
        %get3A_359 = arith.index_cast %get3A_358 : i32 to index
        %get3A_360 = arith.index_cast %mul3A_357 : i32 to index
        %get3A_361 = tpu.vector_load %arg4[%get3A_359, %get3A_360] {strides = array<i32>} : memref<64x768xf32, #tpu.memory_space<vmem>>, vector<16xf32>,
        %mul3A_362 = arith.constant 16 : i32
        %mul3A_363 = arith.muli %scan3A_27, %mul3A_362 : i32
        %get3A_364 = arith.constant 42 : i32
        %get3A_365 = arith.index_cast %get3A_364 : i32 to index
        %get3A_366 = arith.index_cast %mul3A_363 : i32 to index
        %get3A_367 = tpu.vector_load %arg4[%get3A_365, %get3A_366] {strides = array<i32>} : memref<64x768xf32, #tpu.memory_space<vmem>>, vector<16xf32>,
        %mul3A_368 = arith.constant 16 : i32
        %mul3A_369 = arith.muli %scan3A_27, %mul3A_368 : i32
        %get3A_370 = arith.constant 43 : i32
        %get3A_371 = arith.index_cast %get3A_370 : i32 to index
        %get3A_372 = arith.index_cast %mul3A_369 : i32 to index
        %get3A_373 = tpu.vector_load %arg4[%get3A_371, %get3A_372] {strides = array<i32>} : memref<64x768xf32, #tpu.memory_space<vmem>>, vector<16xf32>,
        %mul3A_374 = arith.constant 16 : i32
        %mul3A_375 = arith.muli %scan3A_27, %mul3A_374 : i32
        %get3A_376 = arith.constant 44 : i32
        %get3A_377 = arith.index_cast %get3A_376 : i32 to index
        %get3A_378 = arith.index_cast %mul3A_375 : i32 to index
        %get3A_379 = tpu.vector_load %arg4[%get3A_377, %get3A_378] {strides = array<i32>} : memref<64x768xf32, #tpu.memory_space<vmem>>, vector<16xf32>,
        %mul3A_380 = arith.constant 16 : i32
        %mul3A_381 = arith.muli %scan3A_27, %mul3A_380 : i32
        %get3A_382 = arith.constant 45 : i32
        %get3A_383 = arith.index_cast %get3A_382 : i32 to index
        %get3A_384 = arith.index_cast %mul3A_381 : i32 to index
        %get3A_385 = tpu.vector_load %arg4[%get3A_383, %get3A_384] {strides = array<i32>} : memref<64x768xf32, #tpu.memory_space<vmem>>, vector<16xf32>,
        %mul3A_386 = arith.constant 16 : i32
        %mul3A_387 = arith.muli %scan3A_27, %mul3A_386 : i32
        %get3A_388 = arith.constant 46 : i32
        %get3A_389 = arith.index_cast %get3A_388 : i32 to index
        %get3A_390 = arith.index_cast %mul3A_387 : i32 to index
        %get3A_391 = tpu.vector_load %arg4[%get3A_389, %get3A_390] {strides = array<i32>} : memref<64x768xf32, #tpu.memory_space<vmem>>, vector<16xf32>,
        %mul3A_392 = arith.constant 16 : i32
        %mul3A_393 = arith.muli %scan3A_27, %mul3A_392 : i32
        %get3A_394 = arith.constant 47 : i32
        %get3A_395 = arith.index_cast %get3A_394 : i32 to index
        %get3A_396 = arith.index_cast %mul3A_393 : i32 to index
        %get3A_397 = tpu.vector_load %arg4[%get3A_395, %get3A_396] {strides = array<i32>} : memref<64x768xf32, #tpu.memory_space<vmem>>, vector<16xf32>,
        %broadcast_in_dim3A_398 = arith.constant 40 : i32
        %broadcast_in_dim3A_399 = vector.broadcast %broadcast_in_dim3A_398 : i32 to vector<16xi32>
        tpu.vector_store_idx %arg5[%add3A_31, %broadcast_in_dim3A_399], %get3A_355 : memref<768x65xf32, #tpu.memory_space<vmem>>[vector<16xi32>, vector<16xi32>], vector<16xf32>,
        %broadcast_in_dim3A_400 = arith.constant 41 : i32
        %broadcast_in_dim3A_401 = vector.broadcast %broadcast_in_dim3A_400 : i32 to vector<16xi32>
        tpu.vector_store_idx %arg5[%add3A_31, %broadcast_in_dim3A_401], %get3A_361 : memref<768x65xf32, #tpu.memory_space<vmem>>[vector<16xi32>, vector<16xi32>], vector<16xf32>,
        %broadcast_in_dim3A_402 = arith.constant 42 : i32
        %broadcast_in_dim3A_403 = vector.broadcast %broadcast_in_dim3A_402 : i32 to vector<16xi32>
        tpu.vector_store_idx %arg5[%add3A_31, %broadcast_in_dim3A_403], %get3A_367 : memref<768x65xf32, #tpu.memory_space<vmem>>[vector<16xi32>, vector<16xi32>], vector<16xf32>,
        %broadcast_in_dim3A_404 = arith.constant 43 : i32
        %broadcast_in_dim3A_405 = vector.broadcast %broadcast_in_dim3A_404 : i32 to vector<16xi32>
        tpu.vector_store_idx %arg5[%add3A_31, %broadcast_in_dim3A_405], %get3A_373 : memref<768x65xf32, #tpu.memory_space<vmem>>[vector<16xi32>, vector<16xi32>], vector<16xf32>,
        %broadcast_in_dim3A_406 = arith.constant 44 : i32
        %broadcast_in_dim3A_407 = vector.broadcast %broadcast_in_dim3A_406 : i32 to vector<16xi32>
        tpu.vector_store_idx %arg5[%add3A_31, %broadcast_in_dim3A_407], %get3A_379 : memref<768x65xf32, #tpu.memory_space<vmem>>[vector<16xi32>, vector<16xi32>], vector<16xf32>,
        %broadcast_in_dim3A_408 = arith.constant 45 : i32
        %broadcast_in_dim3A_409 = vector.broadcast %broadcast_in_dim3A_408 : i32 to vector<16xi32>
        tpu.vector_store_idx %arg5[%add3A_31, %broadcast_in_dim3A_409], %get3A_385 : memref<768x65xf32, #tpu.memory_space<vmem>>[vector<16xi32>, vector<16xi32>], vector<16xf32>,
        %broadcast_in_dim3A_410 = arith.constant 46 : i32
        %broadcast_in_dim3A_411 = vector.broadcast %broadcast_in_dim3A_410 : i32 to vector<16xi32>
        tpu.vector_store_idx %arg5[%add3A_31, %broadcast_in_dim3A_411], %get3A_391 : memref<768x65xf32, #tpu.memory_space<vmem>>[vector<16xi32>, vector<16xi32>], vector<16xf32>,
        %broadcast_in_dim3A_412 = arith.constant 47 : i32
        %broadcast_in_dim3A_413 = vector.broadcast %broadcast_in_dim3A_412 : i32 to vector<16xi32>
        tpu.vector_store_idx %arg5[%add3A_31, %broadcast_in_dim3A_413], %get3A_397 : memref<768x65xf32, #tpu.memory_space<vmem>>[vector<16xi32>, vector<16xi32>], vector<16xf32>,
        %mul3A_414 = arith.constant 16 : i32
        %mul3A_415 = arith.muli %scan3A_27, %mul3A_414 : i32
        %get3A_416 = arith.constant 48 : i32
        %get3A_417 = arith.index_cast %get3A_416 : i32 to index
        %get3A_418 = arith.index_cast %mul3A_415 : i32 to index
        %get3A_419 = tpu.vector_load %arg4[%get3A_417, %get3A_418] {strides = array<i32>} : memref<64x768xf32, #tpu.memory_space<vmem>>, vector<16xf32>,
        %mul3A_420 = arith.constant 16 : i32
        %mul3A_421 = arith.muli %scan3A_27, %mul3A_420 : i32
        %get3A_422 = arith.constant 49 : i32
        %get3A_423 = arith.index_cast %get3A_422 : i32 to index
        %get3A_424 = arith.index_cast %mul3A_421 : i32 to index
        %get3A_425 = tpu.vector_load %arg4[%get3A_423, %get3A_424] {strides = array<i32>} : memref<64x768xf32, #tpu.memory_space<vmem>>, vector<16xf32>,
        %mul3A_426 = arith.constant 16 : i32
        %mul3A_427 = arith.muli %scan3A_27, %mul3A_426 : i32
        %get3A_428 = arith.constant 50 : i32
        %get3A_429 = arith.index_cast %get3A_428 : i32 to index
        %get3A_430 = arith.index_cast %mul3A_427 : i32 to index
        %get3A_431 = tpu.vector_load %arg4[%get3A_429, %get3A_430] {strides = array<i32>} : memref<64x768xf32, #tpu.memory_space<vmem>>, vector<16xf32>,
        %mul3A_432 = arith.constant 16 : i32
        %mul3A_433 = arith.muli %scan3A_27, %mul3A_432 : i32
        %get3A_434 = arith.constant 51 : i32
        %get3A_435 = arith.index_cast %get3A_434 : i32 to index
        %get3A_436 = arith.index_cast %mul3A_433 : i32 to index
        %get3A_437 = tpu.vector_load %arg4[%get3A_435, %get3A_436] {strides = array<i32>} : memref<64x768xf32, #tpu.memory_space<vmem>>, vector<16xf32>,
        %mul3A_438 = arith.constant 16 : i32
        %mul3A_439 = arith.muli %scan3A_27, %mul3A_438 : i32
        %get3A_440 = arith.constant 52 : i32
        %get3A_441 = arith.index_cast %get3A_440 : i32 to index
        %get3A_442 = arith.index_cast %mul3A_439 : i32 to index
        %get3A_443 = tpu.vector_load %arg4[%get3A_441, %get3A_442] {strides = array<i32>} : memref<64x768xf32, #tpu.memory_space<vmem>>, vector<16xf32>,
        %mul3A_444 = arith.constant 16 : i32
        %mul3A_445 = arith.muli %scan3A_27, %mul3A_444 : i32
        %get3A_446 = arith.constant 53 : i32
        %get3A_447 = arith.index_cast %get3A_446 : i32 to index
        %get3A_448 = arith.index_cast %mul3A_445 : i32 to index
        %get3A_449 = tpu.vector_load %arg4[%get3A_447, %get3A_448] {strides = array<i32>} : memref<64x768xf32, #tpu.memory_space<vmem>>, vector<16xf32>,
        %mul3A_450 = arith.constant 16 : i32
        %mul3A_451 = arith.muli %scan3A_27, %mul3A_450 : i32
        %get3A_452 = arith.constant 54 : i32
        %get3A_453 = arith.index_cast %get3A_452 : i32 to index
        %get3A_454 = arith.index_cast %mul3A_451 : i32 to index
        %get3A_455 = tpu.vector_load %arg4[%get3A_453, %get3A_454] {strides = array<i32>} : memref<64x768xf32, #tpu.memory_space<vmem>>, vector<16xf32>,
        %mul3A_456 = arith.constant 16 : i32
        %mul3A_457 = arith.muli %scan3A_27, %mul3A_456 : i32
        %get3A_458 = arith.constant 55 : i32
        %get3A_459 = arith.index_cast %get3A_458 : i32 to index
        %get3A_460 = arith.index_cast %mul3A_457 : i32 to index
        %get3A_461 = tpu.vector_load %arg4[%get3A_459, %get3A_460] {strides = array<i32>} : memref<64x768xf32, #tpu.memory_space<vmem>>, vector<16xf32>,
        %broadcast_in_dim3A_462 = arith.constant 48 : i32
        %broadcast_in_dim3A_463 = vector.broadcast %broadcast_in_dim3A_462 : i32 to vector<16xi32>
        tpu.vector_store_idx %arg5[%add3A_31, %broadcast_in_dim3A_463], %get3A_419 : memref<768x65xf32, #tpu.memory_space<vmem>>[vector<16xi32>, vector<16xi32>], vector<16xf32>,
        %broadcast_in_dim3A_464 = arith.constant 49 : i32
        %broadcast_in_dim3A_465 = vector.broadcast %broadcast_in_dim3A_464 : i32 to vector<16xi32>
        tpu.vector_store_idx %arg5[%add3A_31, %broadcast_in_dim3A_465], %get3A_425 : memref<768x65xf32, #tpu.memory_space<vmem>>[vector<16xi32>, vector<16xi32>], vector<16xf32>,
        %broadcast_in_dim3A_466 = arith.constant 50 : i32
        %broadcast_in_dim3A_467 = vector.broadcast %broadcast_in_dim3A_466 : i32 to vector<16xi32>
        tpu.vector_store_idx %arg5[%add3A_31, %broadcast_in_dim3A_467], %get3A_431 : memref<768x65xf32, #tpu.memory_space<vmem>>[vector<16xi32>, vector<16xi32>], vector<16xf32>,
        %broadcast_in_dim3A_468 = arith.constant 51 : i32
        %broadcast_in_dim3A_469 = vector.broadcast %broadcast_in_dim3A_468 : i32 to vector<16xi32>
        tpu.vector_store_idx %arg5[%add3A_31, %broadcast_in_dim3A_469], %get3A_437 : memref<768x65xf32, #tpu.memory_space<vmem>>[vector<16xi32>, vector<16xi32>], vector<16xf32>,
        %broadcast_in_dim3A_470 = arith.constant 52 : i32
        %broadcast_in_dim3A_471 = vector.broadcast %broadcast_in_dim3A_470 : i32 to vector<16xi32>
        tpu.vector_store_idx %arg5[%add3A_31, %broadcast_in_dim3A_471], %get3A_443 : memref<768x65xf32, #tpu.memory_space<vmem>>[vector<16xi32>, vector<16xi32>], vector<16xf32>,
        %broadcast_in_dim3A_472 = arith.constant 53 : i32
        %broadcast_in_dim3A_473 = vector.broadcast %broadcast_in_dim3A_472 : i32 to vector<16xi32>
        tpu.vector_store_idx %arg5[%add3A_31, %broadcast_in_dim3A_473], %get3A_449 : memref<768x65xf32, #tpu.memory_space<vmem>>[vector<16xi32>, vector<16xi32>], vector<16xf32>,
        %broadcast_in_dim3A_474 = arith.constant 54 : i32
        %broadcast_in_dim3A_475 = vector.broadcast %broadcast_in_dim3A_474 : i32 to vector<16xi32>
        tpu.vector_store_idx %arg5[%add3A_31, %broadcast_in_dim3A_475], %get3A_455 : memref<768x65xf32, #tpu.memory_space<vmem>>[vector<16xi32>, vector<16xi32>], vector<16xf32>,
        %broadcast_in_dim3A_476 = arith.constant 55 : i32
        %broadcast_in_dim3A_477 = vector.broadcast %broadcast_in_dim3A_476 : i32 to vector<16xi32>
        tpu.vector_store_idx %arg5[%add3A_31, %broadcast_in_dim3A_477], %get3A_461 : memref<768x65xf32, #tpu.memory_space<vmem>>[vector<16xi32>, vector<16xi32>], vector<16xf32>,
        %mul3A_478 = arith.constant 16 : i32
        %mul3A_479 = arith.muli %scan3A_27, %mul3A_478 : i32
        %get3A_480 = arith.constant 56 : i32
        %get3A_481 = arith.index_cast %get3A_480 : i32 to index
        %get3A_482 = arith.index_cast %mul3A_479 : i32 to index
        %get3A_483 = tpu.vector_load %arg4[%get3A_481, %get3A_482] {strides = array<i32>} : memref<64x768xf32, #tpu.memory_space<vmem>>, vector<16xf32>,
        %mul3A_484 = arith.constant 16 : i32
        %mul3A_485 = arith.muli %scan3A_27, %mul3A_484 : i32
        %get3A_486 = arith.constant 57 : i32
        %get3A_487 = arith.index_cast %get3A_486 : i32 to index
        %get3A_488 = arith.index_cast %mul3A_485 : i32 to index
        %get3A_489 = tpu.vector_load %arg4[%get3A_487, %get3A_488] {strides = array<i32>} : memref<64x768xf32, #tpu.memory_space<vmem>>, vector<16xf32>,
        %mul3A_490 = arith.constant 16 : i32
        %mul3A_491 = arith.muli %scan3A_27, %mul3A_490 : i32
        %get3A_492 = arith.constant 58 : i32
        %get3A_493 = arith.index_cast %get3A_492 : i32 to index
        %get3A_494 = arith.index_cast %mul3A_491 : i32 to index
        %get3A_495 = tpu.vector_load %arg4[%get3A_493, %get3A_494] {strides = array<i32>} : memref<64x768xf32, #tpu.memory_space<vmem>>, vector<16xf32>,
        %mul3A_496 = arith.constant 16 : i32
        %mul3A_497 = arith.muli %scan3A_27, %mul3A_496 : i32
        %get3A_498 = arith.constant 59 : i32
        %get3A_499 = arith.index_cast %get3A_498 : i32 to index
        %get3A_500 = arith.index_cast %mul3A_497 : i32 to index
        %get3A_501 = tpu.vector_load %arg4[%get3A_499, %get3A_500] {strides = array<i32>} : memref<64x768xf32, #tpu.memory_space<vmem>>, vector<16xf32>,
        %mul3A_502 = arith.constant 16 : i32
        %mul3A_503 = arith.muli %scan3A_27, %mul3A_502 : i32
        %get3A_504 = arith.constant 60 : i32
        %get3A_505 = arith.index_cast %get3A_504 : i32 to index
        %get3A_506 = arith.index_cast %mul3A_503 : i32 to index
        %get3A_507 = tpu.vector_load %arg4[%get3A_505, %get3A_506] {strides = array<i32>} : memref<64x768xf32, #tpu.memory_space<vmem>>, vector<16xf32>,
        %mul3A_508 = arith.constant 16 : i32
        %mul3A_509 = arith.muli %scan3A_27, %mul3A_508 : i32
        %get3A_510 = arith.constant 61 : i32
        %get3A_511 = arith.index_cast %get3A_510 : i32 to index
        %get3A_512 = arith.index_cast %mul3A_509 : i32 to index
        %get3A_513 = tpu.vector_load %arg4[%get3A_511, %get3A_512] {strides = array<i32>} : memref<64x768xf32, #tpu.memory_space<vmem>>, vector<16xf32>,
        %mul3A_514 = arith.constant 16 : i32
        %mul3A_515 = arith.muli %scan3A_27, %mul3A_514 : i32
        %get3A_516 = arith.constant 62 : i32
        %get3A_517 = arith.index_cast %get3A_516 : i32 to index
        %get3A_518 = arith.index_cast %mul3A_515 : i32 to index
        %get3A_519 = tpu.vector_load %arg4[%get3A_517, %get3A_518] {strides = array<i32>} : memref<64x768xf32, #tpu.memory_space<vmem>>, vector<16xf32>,
        %mul3A_520 = arith.constant 16 : i32
        %mul3A_521 = arith.muli %scan3A_27, %mul3A_520 : i32
        %get3A_522 = arith.constant 63 : i32
        %get3A_523 = arith.index_cast %get3A_522 : i32 to index
        %get3A_524 = arith.index_cast %mul3A_521 : i32 to index
        %get3A_525 = tpu.vector_load %arg4[%get3A_523, %get3A_524] {strides = array<i32>} : memref<64x768xf32, #tpu.memory_space<vmem>>, vector<16xf32>,
        %broadcast_in_dim3A_526 = arith.constant 56 : i32
        %broadcast_in_dim3A_527 = vector.broadcast %broadcast_in_dim3A_526 : i32 to vector<16xi32>
        tpu.vector_store_idx %arg5[%add3A_31, %broadcast_in_dim3A_527], %get3A_483 : memref<768x65xf32, #tpu.memory_space<vmem>>[vector<16xi32>, vector<16xi32>], vector<16xf32>,
        %broadcast_in_dim3A_528 = arith.constant 57 : i32
        %broadcast_in_dim3A_529 = vector.broadcast %broadcast_in_dim3A_528 : i32 to vector<16xi32>
        tpu.vector_store_idx %arg5[%add3A_31, %broadcast_in_dim3A_529], %get3A_489 : memref<768x65xf32, #tpu.memory_space<vmem>>[vector<16xi32>, vector<16xi32>], vector<16xf32>,
        %broadcast_in_dim3A_530 = arith.constant 58 : i32
        %broadcast_in_dim3A_531 = vector.broadcast %broadcast_in_dim3A_530 : i32 to vector<16xi32>
        tpu.vector_store_idx %arg5[%add3A_31, %broadcast_in_dim3A_531], %get3A_495 : memref<768x65xf32, #tpu.memory_space<vmem>>[vector<16xi32>, vector<16xi32>], vector<16xf32>,
        %broadcast_in_dim3A_532 = arith.constant 59 : i32
        %broadcast_in_dim3A_533 = vector.broadcast %broadcast_in_dim3A_532 : i32 to vector<16xi32>
        tpu.vector_store_idx %arg5[%add3A_31, %broadcast_in_dim3A_533], %get3A_501 : memref<768x65xf32, #tpu.memory_space<vmem>>[vector<16xi32>, vector<16xi32>], vector<16xf32>,
        %broadcast_in_dim3A_534 = arith.constant 60 : i32
        %broadcast_in_dim3A_535 = vector.broadcast %broadcast_in_dim3A_534 : i32 to vector<16xi32>
        tpu.vector_store_idx %arg5[%add3A_31, %broadcast_in_dim3A_535], %get3A_507 : memref<768x65xf32, #tpu.memory_space<vmem>>[vector<16xi32>, vector<16xi32>], vector<16xf32>,
        %broadcast_in_dim3A_536 = arith.constant 61 : i32
        %broadcast_in_dim3A_537 = vector.broadcast %broadcast_in_dim3A_536 : i32 to vector<16xi32>
        tpu.vector_store_idx %arg5[%add3A_31, %broadcast_in_dim3A_537], %get3A_513 : memref<768x65xf32, #tpu.memory_space<vmem>>[vector<16xi32>, vector<16xi32>], vector<16xf32>,
        %broadcast_in_dim3A_538 = arith.constant 62 : i32
        %broadcast_in_dim3A_539 = vector.broadcast %broadcast_in_dim3A_538 : i32 to vector<16xi32>
        tpu.vector_store_idx %arg5[%add3A_31, %broadcast_in_dim3A_539], %get3A_519 : memref<768x65xf32, #tpu.memory_space<vmem>>[vector<16xi32>, vector<16xi32>], vector<16xf32>,
        %broadcast_in_dim3A_540 = arith.constant 63 : i32
        %broadcast_in_dim3A_541 = vector.broadcast %broadcast_in_dim3A_540 : i32 to vector<16xi32>
        tpu.vector_store_idx %arg5[%add3A_31, %broadcast_in_dim3A_541], %get3A_525 : memref<768x65xf32, #tpu.memory_space<vmem>>[vector<16xi32>, vector<16xi32>], vector<16xf32>,
      }
      %scan3A_26 = arith.constant 48 : i32
      "tpu.region"() ({
        %run_scoped3A = tpu.sem_alloc : memref<!tpu.dma_semaphore, #tpu.memory_space<semaphore_mem>>
        %dma_start3A = arith.constant 0 : i32
        %dma_start3A_27 = arith.constant 0 : i32
        %dma_start3A_28 = tpu.memref_slice %arg5[%dma_start3A, %dma_start3A_27] : memref<768x65xf32, #tpu.memory_space<vmem>> -> memref<768x64xf32, #tpu.memory_space<vmem>>
        %dma_start3A_29 = arith.constant 0 : i32
        %dma_start3A_30 = tpu.memref_slice %arg3[%multiple_of3A, %dma_start3A_29] : memref<1000000x64xf32, #tpu.memory_space<hbm>> -> memref<768x64xf32, #tpu.memory_space<hbm>>
        %dma_start3A_31 = arith.constant 0 : i32
        %dma_start3A_32 = tpu.memref_slice %arg3[%multiple_of3A, %dma_start3A_31] : memref<1000000x64xf32, #tpu.memory_space<hbm>> -> memref<768x64xf32, #tpu.memory_space<hbm>>
        %dma_start3A_33 = arith.constant 0 : i32
        %dma_start3A_34 = arith.constant 0 : i32
        %dma_start3A_35 = tpu.memref_slice %arg5[%dma_start3A_33, %dma_start3A_34] : memref<768x65xf32, #tpu.memory_space<vmem>> -> memref<768x64xf32, #tpu.memory_space<vmem>>
        tpu.enqueue_dma source(%dma_start3A_35 : memref<768x64xf32, #tpu.memory_space<vmem>>) target(%dma_start3A_32 : memref<768x64xf32, #tpu.memory_space<hbm>>) target_semaphore(%run_scoped3A : memref<!tpu.dma_semaphore, #tpu.memory_space<semaphore_mem>>)
        %dma_wait3A = arith.constant 0 : i32
        %dma_wait3A_36 = arith.constant 0 : i32
        %dma_wait3A_37 = tpu.memref_slice %arg5[%dma_wait3A, %dma_wait3A_36] : memref<768x65xf32, #tpu.memory_space<vmem>> -> memref<768x64xf32, #tpu.memory_space<vmem>>
        %dma_wait3A_38 = arith.constant 0 : i32
        %dma_wait3A_39 = tpu.memref_slice %arg3[%multiple_of3A, %dma_wait3A_38] : memref<1000000x64xf32, #tpu.memory_space<hbm>> -> memref<768x64xf32, #tpu.memory_space<hbm>>
        %dma_wait3A_40 = arith.constant 0 : i32
        %dma_wait3A_41 = tpu.memref_slice %arg3[%multiple_of3A, %dma_wait3A_40] : memref<1000000x64xf32, #tpu.memory_space<hbm>> -> memref<768x64xf32, #tpu.memory_space<hbm>>
        %dma_wait3A_42 = arith.constant 0 : i32
        %dma_wait3A_43 = arith.constant 0 : i32
        %dma_wait3A_44 = tpu.memref_slice %arg5[%dma_wait3A_42, %dma_wait3A_43] : memref<768x65xf32, #tpu.memory_space<vmem>> -> memref<768x64xf32, #tpu.memory_space<vmem>>
        tpu.wait_dma2 semaphore(%run_scoped3A : memref<!tpu.dma_semaphore, #tpu.memory_space<semaphore_mem>>) src(%dma_wait3A_44 : memref<768x64xf32, #tpu.memory_space<vmem>>) dst(%dma_wait3A_41 : memref<768x64xf32, #tpu.memory_space<hbm>>)
        tpu.yield
      }) : () -> ()
    }
    %while3A_17 = arith.constant 1 : i32
    scf.for %while3A_18 = %while3A_15 to %while3A_11 step %while3A_17  : i32 {
      %mul3A_19 = arith.constant 768 : i32
      %mul3A_20 = arith.muli %while3A_18, %mul3A_19 : i32
      %min3A = arith.constant 999232 : i32
      %min3A_21 = arith.minsi %mul3A_20, %min3A : i32
      %multiple_of3A = tpu.assume_multiple %min3A_21, 8 : i32
      "tpu.region"() ({
        %run_scoped3A = tpu.sem_alloc : memref<!tpu.dma_semaphore, #tpu.memory_space<semaphore_mem>>
        %dma_start3A = arith.constant 0 : i32
        %dma_start3A_27 = tpu.memref_slice %arg2[%dma_start3A, %multiple_of3A] : memref<64x1000000xf32, #tpu.memory_space<hbm>> -> memref<64x768xf32, #tpu.memory_space<hbm>>
        %dma_start3A_28 = arith.constant 0 : i32
        %dma_start3A_29 = tpu.memref_slice %arg2[%dma_start3A_28, %multiple_of3A] : memref<64x1000000xf32, #tpu.memory_space<hbm>> -> memref<64x768xf32, #tpu.memory_space<hbm>>
        tpu.enqueue_dma source(%dma_start3A_29 : memref<64x768xf32, #tpu.memory_space<hbm>>) target(%arg4 : memref<64x768xf32, #tpu.memory_space<vmem>>) target_semaphore(%run_scoped3A : memref<!tpu.dma_semaphore, #tpu.memory_space<semaphore_mem>>)
        %dma_wait3A = arith.constant 0 : i32
        %dma_wait3A_30 = tpu.memref_slice %arg2[%dma_wait3A, %multiple_of3A] : memref<64x1000000xf32, #tpu.memory_space<hbm>> -> memref<64x768xf32, #tpu.memory_space<hbm>>
        %dma_wait3A_31 = arith.constant 0 : i32
        %dma_wait3A_32 = tpu.memref_slice %arg2[%dma_wait3A_31, %multiple_of3A] : memref<64x1000000xf32, #tpu.memory_space<hbm>> -> memref<64x768xf32, #tpu.memory_space<hbm>>
        tpu.wait_dma2 semaphore(%run_scoped3A : memref<!tpu.dma_semaphore, #tpu.memory_space<semaphore_mem>>) src(%dma_wait3A_32 : memref<64x768xf32, #tpu.memory_space<hbm>>) dst(%arg4 : memref<64x768xf32, #tpu.memory_space<vmem>>)
        tpu.yield
      }) : () -> ()
      %scan3A = arith.constant 0 : i32
      %scan3A_22 = arith.constant 0 : i32
      %scan3A_23 = arith.constant 48 : i32
      %scan3A_24 = arith.addi %scan3A_22, %scan3A_23 : i32
      %scan3A_25 = arith.constant 1 : i32
      scf.for %scan3A_27 = %scan3A_22 to %scan3A_24 step %scan3A_25  : i32 {
        %mul3A_28 = arith.constant 16 : i32
        %mul3A_29 = arith.muli %scan3A_27, %mul3A_28 : i32
        %add3A_30 = vector.broadcast %mul3A_29 : i32 to vector<16xi32>
        %add3A_31 = arith.addi %iota3A, %add3A_30 : vector<16xi32>
        %mul3A_32 = arith.constant 16 : i32
        %mul3A_33 = arith.muli %scan3A_27, %mul3A_32 : i32
        %get3A = arith.constant 0 : i32
        %get3A_34 = arith.index_cast %get3A : i32 to index
        %get3A_35 = arith.index_cast %mul3A_33 : i32 to index
        %get3A_36 = tpu.vector_load %arg4[%get3A_34, %get3A_35] {strides = array<i32>} : memref<64x768xf32, #tpu.memory_space<vmem>>, vector<16xf32>,
        %mul3A_37 = arith.constant 16 : i32
        %mul3A_38 = arith.muli %scan3A_27, %mul3A_37 : i32
        %get3A_39 = arith.constant 1 : i32
        %get3A_40 = arith.index_cast %get3A_39 : i32 to index
        %get3A_41 = arith.index_cast %mul3A_38 : i32 to index
        %get3A_42 = tpu.vector_load %arg4[%get3A_40, %get3A_41] {strides = array<i32>} : memref<64x768xf32, #tpu.memory_space<vmem>>, vector<16xf32>,
        %mul3A_43 = arith.constant 16 : i32
        %mul3A_44 = arith.muli %scan3A_27, %mul3A_43 : i32
        %get3A_45 = arith.constant 2 : i32
        %get3A_46 = arith.index_cast %get3A_45 : i32 to index
        %get3A_47 = arith.index_cast %mul3A_44 : i32 to index
        %get3A_48 = tpu.vector_load %arg4[%get3A_46, %get3A_47] {strides = array<i32>} : memref<64x768xf32, #tpu.memory_space<vmem>>, vector<16xf32>,
        %mul3A_49 = arith.constant 16 : i32
        %mul3A_50 = arith.muli %scan3A_27, %mul3A_49 : i32
        %get3A_51 = arith.constant 3 : i32
        %get3A_52 = arith.index_cast %get3A_51 : i32 to index
        %get3A_53 = arith.index_cast %mul3A_50 : i32 to index
        %get3A_54 = tpu.vector_load %arg4[%get3A_52, %get3A_53] {strides = array<i32>} : memref<64x768xf32, #tpu.memory_space<vmem>>, vector<16xf32>,
        %mul3A_55 = arith.constant 16 : i32
        %mul3A_56 = arith.muli %scan3A_27, %mul3A_55 : i32
        %get3A_57 = arith.constant 4 : i32
        %get3A_58 = arith.index_cast %get3A_57 : i32 to index
        %get3A_59 = arith.index_cast %mul3A_56 : i32 to index
        %get3A_60 = tpu.vector_load %arg4[%get3A_58, %get3A_59] {strides = array<i32>} : memref<64x768xf32, #tpu.memory_space<vmem>>, vector<16xf32>,
        %mul3A_61 = arith.constant 16 : i32
        %mul3A_62 = arith.muli %scan3A_27, %mul3A_61 : i32
        %get3A_63 = arith.constant 5 : i32
        %get3A_64 = arith.index_cast %get3A_63 : i32 to index
        %get3A_65 = arith.index_cast %mul3A_62 : i32 to index
        %get3A_66 = tpu.vector_load %arg4[%get3A_64, %get3A_65] {strides = array<i32>} : memref<64x768xf32, #tpu.memory_space<vmem>>, vector<16xf32>,
        %mul3A_67 = arith.constant 16 : i32
        %mul3A_68 = arith.muli %scan3A_27, %mul3A_67 : i32
        %get3A_69 = arith.constant 6 : i32
        %get3A_70 = arith.index_cast %get3A_69 : i32 to index
        %get3A_71 = arith.index_cast %mul3A_68 : i32 to index
        %get3A_72 = tpu.vector_load %arg4[%get3A_70, %get3A_71] {strides = array<i32>} : memref<64x768xf32, #tpu.memory_space<vmem>>, vector<16xf32>,
        %mul3A_73 = arith.constant 16 : i32
        %mul3A_74 = arith.muli %scan3A_27, %mul3A_73 : i32
        %get3A_75 = arith.constant 7 : i32
        %get3A_76 = arith.index_cast %get3A_75 : i32 to index
        %get3A_77 = arith.index_cast %mul3A_74 : i32 to index
        %get3A_78 = tpu.vector_load %arg4[%get3A_76, %get3A_77] {strides = array<i32>} : memref<64x768xf32, #tpu.memory_space<vmem>>, vector<16xf32>,
        %broadcast_in_dim3A = arith.constant 0 : i32
        %broadcast_in_dim3A_79 = vector.broadcast %broadcast_in_dim3A : i32 to vector<16xi32>
        tpu.vector_store_idx %arg5[%add3A_31, %broadcast_in_dim3A_79], %get3A_36 : memref<768x65xf32, #tpu.memory_space<vmem>>[vector<16xi32>, vector<16xi32>], vector<16xf32>,
        %broadcast_in_dim3A_80 = arith.constant 1 : i32
        %broadcast_in_dim3A_81 = vector.broadcast %broadcast_in_dim3A_80 : i32 to vector<16xi32>
        tpu.vector_store_idx %arg5[%add3A_31, %broadcast_in_dim3A_81], %get3A_42 : memref<768x65xf32, #tpu.memory_space<vmem>>[vector<16xi32>, vector<16xi32>], vector<16xf32>,
        %broadcast_in_dim3A_82 = arith.constant 2 : i32
        %broadcast_in_dim3A_83 = vector.broadcast %broadcast_in_dim3A_82 : i32 to vector<16xi32>
        tpu.vector_store_idx %arg5[%add3A_31, %broadcast_in_dim3A_83], %get3A_48 : memref<768x65xf32, #tpu.memory_space<vmem>>[vector<16xi32>, vector<16xi32>], vector<16xf32>,
        %broadcast_in_dim3A_84 = arith.constant 3 : i32
        %broadcast_in_dim3A_85 = vector.broadcast %broadcast_in_dim3A_84 : i32 to vector<16xi32>
        tpu.vector_store_idx %arg5[%add3A_31, %broadcast_in_dim3A_85], %get3A_54 : memref<768x65xf32, #tpu.memory_space<vmem>>[vector<16xi32>, vector<16xi32>], vector<16xf32>,
        %broadcast_in_dim3A_86 = arith.constant 4 : i32
        %broadcast_in_dim3A_87 = vector.broadcast %broadcast_in_dim3A_86 : i32 to vector<16xi32>
        tpu.vector_store_idx %arg5[%add3A_31, %broadcast_in_dim3A_87], %get3A_60 : memref<768x65xf32, #tpu.memory_space<vmem>>[vector<16xi32>, vector<16xi32>], vector<16xf32>,
        %broadcast_in_dim3A_88 = arith.constant 5 : i32
        %broadcast_in_dim3A_89 = vector.broadcast %broadcast_in_dim3A_88 : i32 to vector<16xi32>
        tpu.vector_store_idx %arg5[%add3A_31, %broadcast_in_dim3A_89], %get3A_66 : memref<768x65xf32, #tpu.memory_space<vmem>>[vector<16xi32>, vector<16xi32>], vector<16xf32>,
        %broadcast_in_dim3A_90 = arith.constant 6 : i32
        %broadcast_in_dim3A_91 = vector.broadcast %broadcast_in_dim3A_90 : i32 to vector<16xi32>
        tpu.vector_store_idx %arg5[%add3A_31, %broadcast_in_dim3A_91], %get3A_72 : memref<768x65xf32, #tpu.memory_space<vmem>>[vector<16xi32>, vector<16xi32>], vector<16xf32>,
        %broadcast_in_dim3A_92 = arith.constant 7 : i32
        %broadcast_in_dim3A_93 = vector.broadcast %broadcast_in_dim3A_92 : i32 to vector<16xi32>
        tpu.vector_store_idx %arg5[%add3A_31, %broadcast_in_dim3A_93], %get3A_78 : memref<768x65xf32, #tpu.memory_space<vmem>>[vector<16xi32>, vector<16xi32>], vector<16xf32>,
        %mul3A_94 = arith.constant 16 : i32
        %mul3A_95 = arith.muli %scan3A_27, %mul3A_94 : i32
        %get3A_96 = arith.constant 8 : i32
        %get3A_97 = arith.index_cast %get3A_96 : i32 to index
        %get3A_98 = arith.index_cast %mul3A_95 : i32 to index
        %get3A_99 = tpu.vector_load %arg4[%get3A_97, %get3A_98] {strides = array<i32>} : memref<64x768xf32, #tpu.memory_space<vmem>>, vector<16xf32>,
        %mul3A_100 = arith.constant 16 : i32
        %mul3A_101 = arith.muli %scan3A_27, %mul3A_100 : i32
        %get3A_102 = arith.constant 9 : i32
        %get3A_103 = arith.index_cast %get3A_102 : i32 to index
        %get3A_104 = arith.index_cast %mul3A_101 : i32 to index
        %get3A_105 = tpu.vector_load %arg4[%get3A_103, %get3A_104] {strides = array<i32>} : memref<64x768xf32, #tpu.memory_space<vmem>>, vector<16xf32>,
        %mul3A_106 = arith.constant 16 : i32
        %mul3A_107 = arith.muli %scan3A_27, %mul3A_106 : i32
        %get3A_108 = arith.constant 10 : i32
        %get3A_109 = arith.index_cast %get3A_108 : i32 to index
        %get3A_110 = arith.index_cast %mul3A_107 : i32 to index
        %get3A_111 = tpu.vector_load %arg4[%get3A_109, %get3A_110] {strides = array<i32>} : memref<64x768xf32, #tpu.memory_space<vmem>>, vector<16xf32>,
        %mul3A_112 = arith.constant 16 : i32
        %mul3A_113 = arith.muli %scan3A_27, %mul3A_112 : i32
        %get3A_114 = arith.constant 11 : i32
        %get3A_115 = arith.index_cast %get3A_114 : i32 to index
        %get3A_116 = arith.index_cast %mul3A_113 : i32 to index
        %get3A_117 = tpu.vector_load %arg4[%get3A_115, %get3A_116] {strides = array<i32>} : memref<64x768xf32, #tpu.memory_space<vmem>>, vector<16xf32>,
        %mul3A_118 = arith.constant 16 : i32
        %mul3A_119 = arith.muli %scan3A_27, %mul3A_118 : i32
        %get3A_120 = arith.constant 12 : i32
        %get3A_121 = arith.index_cast %get3A_120 : i32 to index
        %get3A_122 = arith.index_cast %mul3A_119 : i32 to index
        %get3A_123 = tpu.vector_load %arg4[%get3A_121, %get3A_122] {strides = array<i32>} : memref<64x768xf32, #tpu.memory_space<vmem>>, vector<16xf32>,
        %mul3A_124 = arith.constant 16 : i32
        %mul3A_125 = arith.muli %scan3A_27, %mul3A_124 : i32
        %get3A_126 = arith.constant 13 : i32
        %get3A_127 = arith.index_cast %get3A_126 : i32 to index
        %get3A_128 = arith.index_cast %mul3A_125 : i32 to index
        %get3A_129 = tpu.vector_load %arg4[%get3A_127, %get3A_128] {strides = array<i32>} : memref<64x768xf32, #tpu.memory_space<vmem>>, vector<16xf32>,
        %mul3A_130 = arith.constant 16 : i32
        %mul3A_131 = arith.muli %scan3A_27, %mul3A_130 : i32
        %get3A_132 = arith.constant 14 : i32
        %get3A_133 = arith.index_cast %get3A_132 : i32 to index
        %get3A_134 = arith.index_cast %mul3A_131 : i32 to index
        %get3A_135 = tpu.vector_load %arg4[%get3A_133, %get3A_134] {strides = array<i32>} : memref<64x768xf32, #tpu.memory_space<vmem>>, vector<16xf32>,
        %mul3A_136 = arith.constant 16 : i32
        %mul3A_137 = arith.muli %scan3A_27, %mul3A_136 : i32
        %get3A_138 = arith.constant 15 : i32
        %get3A_139 = arith.index_cast %get3A_138 : i32 to index
        %get3A_140 = arith.index_cast %mul3A_137 : i32 to index
        %get3A_141 = tpu.vector_load %arg4[%get3A_139, %get3A_140] {strides = array<i32>} : memref<64x768xf32, #tpu.memory_space<vmem>>, vector<16xf32>,
        %broadcast_in_dim3A_142 = arith.constant 8 : i32
        %broadcast_in_dim3A_143 = vector.broadcast %broadcast_in_dim3A_142 : i32 to vector<16xi32>
        tpu.vector_store_idx %arg5[%add3A_31, %broadcast_in_dim3A_143], %get3A_99 : memref<768x65xf32, #tpu.memory_space<vmem>>[vector<16xi32>, vector<16xi32>], vector<16xf32>,
        %broadcast_in_dim3A_144 = arith.constant 9 : i32
        %broadcast_in_dim3A_145 = vector.broadcast %broadcast_in_dim3A_144 : i32 to vector<16xi32>
        tpu.vector_store_idx %arg5[%add3A_31, %broadcast_in_dim3A_145], %get3A_105 : memref<768x65xf32, #tpu.memory_space<vmem>>[vector<16xi32>, vector<16xi32>], vector<16xf32>,
        %broadcast_in_dim3A_146 = arith.constant 10 : i32
        %broadcast_in_dim3A_147 = vector.broadcast %broadcast_in_dim3A_146 : i32 to vector<16xi32>
        tpu.vector_store_idx %arg5[%add3A_31, %broadcast_in_dim3A_147], %get3A_111 : memref<768x65xf32, #tpu.memory_space<vmem>>[vector<16xi32>, vector<16xi32>], vector<16xf32>,
        %broadcast_in_dim3A_148 = arith.constant 11 : i32
        %broadcast_in_dim3A_149 = vector.broadcast %broadcast_in_dim3A_148 : i32 to vector<16xi32>
        tpu.vector_store_idx %arg5[%add3A_31, %broadcast_in_dim3A_149], %get3A_117 : memref<768x65xf32, #tpu.memory_space<vmem>>[vector<16xi32>, vector<16xi32>], vector<16xf32>,
        %broadcast_in_dim3A_150 = arith.constant 12 : i32
        %broadcast_in_dim3A_151 = vector.broadcast %broadcast_in_dim3A_150 : i32 to vector<16xi32>
        tpu.vector_store_idx %arg5[%add3A_31, %broadcast_in_dim3A_151], %get3A_123 : memref<768x65xf32, #tpu.memory_space<vmem>>[vector<16xi32>, vector<16xi32>], vector<16xf32>,
        %broadcast_in_dim3A_152 = arith.constant 13 : i32
        %broadcast_in_dim3A_153 = vector.broadcast %broadcast_in_dim3A_152 : i32 to vector<16xi32>
        tpu.vector_store_idx %arg5[%add3A_31, %broadcast_in_dim3A_153], %get3A_129 : memref<768x65xf32, #tpu.memory_space<vmem>>[vector<16xi32>, vector<16xi32>], vector<16xf32>,
        %broadcast_in_dim3A_154 = arith.constant 14 : i32
        %broadcast_in_dim3A_155 = vector.broadcast %broadcast_in_dim3A_154 : i32 to vector<16xi32>
        tpu.vector_store_idx %arg5[%add3A_31, %broadcast_in_dim3A_155], %get3A_135 : memref<768x65xf32, #tpu.memory_space<vmem>>[vector<16xi32>, vector<16xi32>], vector<16xf32>,
        %broadcast_in_dim3A_156 = arith.constant 15 : i32
        %broadcast_in_dim3A_157 = vector.broadcast %broadcast_in_dim3A_156 : i32 to vector<16xi32>
        tpu.vector_store_idx %arg5[%add3A_31, %broadcast_in_dim3A_157], %get3A_141 : memref<768x65xf32, #tpu.memory_space<vmem>>[vector<16xi32>, vector<16xi32>], vector<16xf32>,
        %mul3A_158 = arith.constant 16 : i32
        %mul3A_159 = arith.muli %scan3A_27, %mul3A_158 : i32
        %get3A_160 = arith.constant 16 : i32
        %get3A_161 = arith.index_cast %get3A_160 : i32 to index
        %get3A_162 = arith.index_cast %mul3A_159 : i32 to index
        %get3A_163 = tpu.vector_load %arg4[%get3A_161, %get3A_162] {strides = array<i32>} : memref<64x768xf32, #tpu.memory_space<vmem>>, vector<16xf32>,
        %mul3A_164 = arith.constant 16 : i32
        %mul3A_165 = arith.muli %scan3A_27, %mul3A_164 : i32
        %get3A_166 = arith.constant 17 : i32
        %get3A_167 = arith.index_cast %get3A_166 : i32 to index
        %get3A_168 = arith.index_cast %mul3A_165 : i32 to index
        %get3A_169 = tpu.vector_load %arg4[%get3A_167, %get3A_168] {strides = array<i32>} : memref<64x768xf32, #tpu.memory_space<vmem>>, vector<16xf32>,
        %mul3A_170 = arith.constant 16 : i32
        %mul3A_171 = arith.muli %scan3A_27, %mul3A_170 : i32
        %get3A_172 = arith.constant 18 : i32
        %get3A_173 = arith.index_cast %get3A_172 : i32 to index
        %get3A_174 = arith.index_cast %mul3A_171 : i32 to index
        %get3A_175 = tpu.vector_load %arg4[%get3A_173, %get3A_174] {strides = array<i32>} : memref<64x768xf32, #tpu.memory_space<vmem>>, vector<16xf32>,
        %mul3A_176 = arith.constant 16 : i32
        %mul3A_177 = arith.muli %scan3A_27, %mul3A_176 : i32
        %get3A_178 = arith.constant 19 : i32
        %get3A_179 = arith.index_cast %get3A_178 : i32 to index
        %get3A_180 = arith.index_cast %mul3A_177 : i32 to index
        %get3A_181 = tpu.vector_load %arg4[%get3A_179, %get3A_180] {strides = array<i32>} : memref<64x768xf32, #tpu.memory_space<vmem>>, vector<16xf32>,
        %mul3A_182 = arith.constant 16 : i32
        %mul3A_183 = arith.muli %scan3A_27, %mul3A_182 : i32
        %get3A_184 = arith.constant 20 : i32
        %get3A_185 = arith.index_cast %get3A_184 : i32 to index
        %get3A_186 = arith.index_cast %mul3A_183 : i32 to index
        %get3A_187 = tpu.vector_load %arg4[%get3A_185, %get3A_186] {strides = array<i32>} : memref<64x768xf32, #tpu.memory_space<vmem>>, vector<16xf32>,
        %mul3A_188 = arith.constant 16 : i32
        %mul3A_189 = arith.muli %scan3A_27, %mul3A_188 : i32
        %get3A_190 = arith.constant 21 : i32
        %get3A_191 = arith.index_cast %get3A_190 : i32 to index
        %get3A_192 = arith.index_cast %mul3A_189 : i32 to index
        %get3A_193 = tpu.vector_load %arg4[%get3A_191, %get3A_192] {strides = array<i32>} : memref<64x768xf32, #tpu.memory_space<vmem>>, vector<16xf32>,
        %mul3A_194 = arith.constant 16 : i32
        %mul3A_195 = arith.muli %scan3A_27, %mul3A_194 : i32
        %get3A_196 = arith.constant 22 : i32
        %get3A_197 = arith.index_cast %get3A_196 : i32 to index
        %get3A_198 = arith.index_cast %mul3A_195 : i32 to index
        %get3A_199 = tpu.vector_load %arg4[%get3A_197, %get3A_198] {strides = array<i32>} : memref<64x768xf32, #tpu.memory_space<vmem>>, vector<16xf32>,
        %mul3A_200 = arith.constant 16 : i32
        %mul3A_201 = arith.muli %scan3A_27, %mul3A_200 : i32
        %get3A_202 = arith.constant 23 : i32
        %get3A_203 = arith.index_cast %get3A_202 : i32 to index
        %get3A_204 = arith.index_cast %mul3A_201 : i32 to index
        %get3A_205 = tpu.vector_load %arg4[%get3A_203, %get3A_204] {strides = array<i32>} : memref<64x768xf32, #tpu.memory_space<vmem>>, vector<16xf32>,
        %broadcast_in_dim3A_206 = arith.constant 16 : i32
        %broadcast_in_dim3A_207 = vector.broadcast %broadcast_in_dim3A_206 : i32 to vector<16xi32>
        tpu.vector_store_idx %arg5[%add3A_31, %broadcast_in_dim3A_207], %get3A_163 : memref<768x65xf32, #tpu.memory_space<vmem>>[vector<16xi32>, vector<16xi32>], vector<16xf32>,
        %broadcast_in_dim3A_208 = arith.constant 17 : i32
        %broadcast_in_dim3A_209 = vector.broadcast %broadcast_in_dim3A_208 : i32 to vector<16xi32>
        tpu.vector_store_idx %arg5[%add3A_31, %broadcast_in_dim3A_209], %get3A_169 : memref<768x65xf32, #tpu.memory_space<vmem>>[vector<16xi32>, vector<16xi32>], vector<16xf32>,
        %broadcast_in_dim3A_210 = arith.constant 18 : i32
        %broadcast_in_dim3A_211 = vector.broadcast %broadcast_in_dim3A_210 : i32 to vector<16xi32>
        tpu.vector_store_idx %arg5[%add3A_31, %broadcast_in_dim3A_211], %get3A_175 : memref<768x65xf32, #tpu.memory_space<vmem>>[vector<16xi32>, vector<16xi32>], vector<16xf32>,
        %broadcast_in_dim3A_212 = arith.constant 19 : i32
        %broadcast_in_dim3A_213 = vector.broadcast %broadcast_in_dim3A_212 : i32 to vector<16xi32>
        tpu.vector_store_idx %arg5[%add3A_31, %broadcast_in_dim3A_213], %get3A_181 : memref<768x65xf32, #tpu.memory_space<vmem>>[vector<16xi32>, vector<16xi32>], vector<16xf32>,
        %broadcast_in_dim3A_214 = arith.constant 20 : i32
        %broadcast_in_dim3A_215 = vector.broadcast %broadcast_in_dim3A_214 : i32 to vector<16xi32>
        tpu.vector_store_idx %arg5[%add3A_31, %broadcast_in_dim3A_215], %get3A_187 : memref<768x65xf32, #tpu.memory_space<vmem>>[vector<16xi32>, vector<16xi32>], vector<16xf32>,
        %broadcast_in_dim3A_216 = arith.constant 21 : i32
        %broadcast_in_dim3A_217 = vector.broadcast %broadcast_in_dim3A_216 : i32 to vector<16xi32>
        tpu.vector_store_idx %arg5[%add3A_31, %broadcast_in_dim3A_217], %get3A_193 : memref<768x65xf32, #tpu.memory_space<vmem>>[vector<16xi32>, vector<16xi32>], vector<16xf32>,
        %broadcast_in_dim3A_218 = arith.constant 22 : i32
        %broadcast_in_dim3A_219 = vector.broadcast %broadcast_in_dim3A_218 : i32 to vector<16xi32>
        tpu.vector_store_idx %arg5[%add3A_31, %broadcast_in_dim3A_219], %get3A_199 : memref<768x65xf32, #tpu.memory_space<vmem>>[vector<16xi32>, vector<16xi32>], vector<16xf32>,
        %broadcast_in_dim3A_220 = arith.constant 23 : i32
        %broadcast_in_dim3A_221 = vector.broadcast %broadcast_in_dim3A_220 : i32 to vector<16xi32>
        tpu.vector_store_idx %arg5[%add3A_31, %broadcast_in_dim3A_221], %get3A_205 : memref<768x65xf32, #tpu.memory_space<vmem>>[vector<16xi32>, vector<16xi32>], vector<16xf32>,
        %mul3A_222 = arith.constant 16 : i32
        %mul3A_223 = arith.muli %scan3A_27, %mul3A_222 : i32
        %get3A_224 = arith.constant 24 : i32
        %get3A_225 = arith.index_cast %get3A_224 : i32 to index
        %get3A_226 = arith.index_cast %mul3A_223 : i32 to index
        %get3A_227 = tpu.vector_load %arg4[%get3A_225, %get3A_226] {strides = array<i32>} : memref<64x768xf32, #tpu.memory_space<vmem>>, vector<16xf32>,
        %mul3A_228 = arith.constant 16 : i32
        %mul3A_229 = arith.muli %scan3A_27, %mul3A_228 : i32
        %get3A_230 = arith.constant 25 : i32
        %get3A_231 = arith.index_cast %get3A_230 : i32 to index
        %get3A_232 = arith.index_cast %mul3A_229 : i32 to index
        %get3A_233 = tpu.vector_load %arg4[%get3A_231, %get3A_232] {strides = array<i32>} : memref<64x768xf32, #tpu.memory_space<vmem>>, vector<16xf32>,
        %mul3A_234 = arith.constant 16 : i32
        %mul3A_235 = arith.muli %scan3A_27, %mul3A_234 : i32
        %get3A_236 = arith.constant 26 : i32
        %get3A_237 = arith.index_cast %get3A_236 : i32 to index
        %get3A_238 = arith.index_cast %mul3A_235 : i32 to index
        %get3A_239 = tpu.vector_load %arg4[%get3A_237, %get3A_238] {strides = array<i32>} : memref<64x768xf32, #tpu.memory_space<vmem>>, vector<16xf32>,
        %mul3A_240 = arith.constant 16 : i32
        %mul3A_241 = arith.muli %scan3A_27, %mul3A_240 : i32
        %get3A_242 = arith.constant 27 : i32
        %get3A_243 = arith.index_cast %get3A_242 : i32 to index
        %get3A_244 = arith.index_cast %mul3A_241 : i32 to index
        %get3A_245 = tpu.vector_load %arg4[%get3A_243, %get3A_244] {strides = array<i32>} : memref<64x768xf32, #tpu.memory_space<vmem>>, vector<16xf32>,
        %mul3A_246 = arith.constant 16 : i32
        %mul3A_247 = arith.muli %scan3A_27, %mul3A_246 : i32
        %get3A_248 = arith.constant 28 : i32
        %get3A_249 = arith.index_cast %get3A_248 : i32 to index
        %get3A_250 = arith.index_cast %mul3A_247 : i32 to index
        %get3A_251 = tpu.vector_load %arg4[%get3A_249, %get3A_250] {strides = array<i32>} : memref<64x768xf32, #tpu.memory_space<vmem>>, vector<16xf32>,
        %mul3A_252 = arith.constant 16 : i32
        %mul3A_253 = arith.muli %scan3A_27, %mul3A_252 : i32
        %get3A_254 = arith.constant 29 : i32
        %get3A_255 = arith.index_cast %get3A_254 : i32 to index
        %get3A_256 = arith.index_cast %mul3A_253 : i32 to index
        %get3A_257 = tpu.vector_load %arg4[%get3A_255, %get3A_256] {strides = array<i32>} : memref<64x768xf32, #tpu.memory_space<vmem>>, vector<16xf32>,
        %mul3A_258 = arith.constant 16 : i32
        %mul3A_259 = arith.muli %scan3A_27, %mul3A_258 : i32
        %get3A_260 = arith.constant 30 : i32
        %get3A_261 = arith.index_cast %get3A_260 : i32 to index
        %get3A_262 = arith.index_cast %mul3A_259 : i32 to index
        %get3A_263 = tpu.vector_load %arg4[%get3A_261, %get3A_262] {strides = array<i32>} : memref<64x768xf32, #tpu.memory_space<vmem>>, vector<16xf32>,
        %mul3A_264 = arith.constant 16 : i32
        %mul3A_265 = arith.muli %scan3A_27, %mul3A_264 : i32
        %get3A_266 = arith.constant 31 : i32
        %get3A_267 = arith.index_cast %get3A_266 : i32 to index
        %get3A_268 = arith.index_cast %mul3A_265 : i32 to index
        %get3A_269 = tpu.vector_load %arg4[%get3A_267, %get3A_268] {strides = array<i32>} : memref<64x768xf32, #tpu.memory_space<vmem>>, vector<16xf32>,
        %broadcast_in_dim3A_270 = arith.constant 24 : i32
        %broadcast_in_dim3A_271 = vector.broadcast %broadcast_in_dim3A_270 : i32 to vector<16xi32>
        tpu.vector_store_idx %arg5[%add3A_31, %broadcast_in_dim3A_271], %get3A_227 : memref<768x65xf32, #tpu.memory_space<vmem>>[vector<16xi32>, vector<16xi32>], vector<16xf32>,
        %broadcast_in_dim3A_272 = arith.constant 25 : i32
        %broadcast_in_dim3A_273 = vector.broadcast %broadcast_in_dim3A_272 : i32 to vector<16xi32>
        tpu.vector_store_idx %arg5[%add3A_31, %broadcast_in_dim3A_273], %get3A_233 : memref<768x65xf32, #tpu.memory_space<vmem>>[vector<16xi32>, vector<16xi32>], vector<16xf32>,
        %broadcast_in_dim3A_274 = arith.constant 26 : i32
        %broadcast_in_dim3A_275 = vector.broadcast %broadcast_in_dim3A_274 : i32 to vector<16xi32>
        tpu.vector_store_idx %arg5[%add3A_31, %broadcast_in_dim3A_275], %get3A_239 : memref<768x65xf32, #tpu.memory_space<vmem>>[vector<16xi32>, vector<16xi32>], vector<16xf32>,
        %broadcast_in_dim3A_276 = arith.constant 27 : i32
        %broadcast_in_dim3A_277 = vector.broadcast %broadcast_in_dim3A_276 : i32 to vector<16xi32>
        tpu.vector_store_idx %arg5[%add3A_31, %broadcast_in_dim3A_277], %get3A_245 : memref<768x65xf32, #tpu.memory_space<vmem>>[vector<16xi32>, vector<16xi32>], vector<16xf32>,
        %broadcast_in_dim3A_278 = arith.constant 28 : i32
        %broadcast_in_dim3A_279 = vector.broadcast %broadcast_in_dim3A_278 : i32 to vector<16xi32>
        tpu.vector_store_idx %arg5[%add3A_31, %broadcast_in_dim3A_279], %get3A_251 : memref<768x65xf32, #tpu.memory_space<vmem>>[vector<16xi32>, vector<16xi32>], vector<16xf32>,
        %broadcast_in_dim3A_280 = arith.constant 29 : i32
        %broadcast_in_dim3A_281 = vector.broadcast %broadcast_in_dim3A_280 : i32 to vector<16xi32>
        tpu.vector_store_idx %arg5[%add3A_31, %broadcast_in_dim3A_281], %get3A_257 : memref<768x65xf32, #tpu.memory_space<vmem>>[vector<16xi32>, vector<16xi32>], vector<16xf32>,
        %broadcast_in_dim3A_282 = arith.constant 30 : i32
        %broadcast_in_dim3A_283 = vector.broadcast %broadcast_in_dim3A_282 : i32 to vector<16xi32>
        tpu.vector_store_idx %arg5[%add3A_31, %broadcast_in_dim3A_283], %get3A_263 : memref<768x65xf32, #tpu.memory_space<vmem>>[vector<16xi32>, vector<16xi32>], vector<16xf32>,
        %broadcast_in_dim3A_284 = arith.constant 31 : i32
        %broadcast_in_dim3A_285 = vector.broadcast %broadcast_in_dim3A_284 : i32 to vector<16xi32>
        tpu.vector_store_idx %arg5[%add3A_31, %broadcast_in_dim3A_285], %get3A_269 : memref<768x65xf32, #tpu.memory_space<vmem>>[vector<16xi32>, vector<16xi32>], vector<16xf32>,
        %mul3A_286 = arith.constant 16 : i32
        %mul3A_287 = arith.muli %scan3A_27, %mul3A_286 : i32
        %get3A_288 = arith.constant 32 : i32
        %get3A_289 = arith.index_cast %get3A_288 : i32 to index
        %get3A_290 = arith.index_cast %mul3A_287 : i32 to index
        %get3A_291 = tpu.vector_load %arg4[%get3A_289, %get3A_290] {strides = array<i32>} : memref<64x768xf32, #tpu.memory_space<vmem>>, vector<16xf32>,
        %mul3A_292 = arith.constant 16 : i32
        %mul3A_293 = arith.muli %scan3A_27, %mul3A_292 : i32
        %get3A_294 = arith.constant 33 : i32
        %get3A_295 = arith.index_cast %get3A_294 : i32 to index
        %get3A_296 = arith.index_cast %mul3A_293 : i32 to index
        %get3A_297 = tpu.vector_load %arg4[%get3A_295, %get3A_296] {strides = array<i32>} : memref<64x768xf32, #tpu.memory_space<vmem>>, vector<16xf32>,
        %mul3A_298 = arith.constant 16 : i32
        %mul3A_299 = arith.muli %scan3A_27, %mul3A_298 : i32
        %get3A_300 = arith.constant 34 : i32
        %get3A_301 = arith.index_cast %get3A_300 : i32 to index
        %get3A_302 = arith.index_cast %mul3A_299 : i32 to index
        %get3A_303 = tpu.vector_load %arg4[%get3A_301, %get3A_302] {strides = array<i32>} : memref<64x768xf32, #tpu.memory_space<vmem>>, vector<16xf32>,
        %mul3A_304 = arith.constant 16 : i32
        %mul3A_305 = arith.muli %scan3A_27, %mul3A_304 : i32
        %get3A_306 = arith.constant 35 : i32
        %get3A_307 = arith.index_cast %get3A_306 : i32 to index
        %get3A_308 = arith.index_cast %mul3A_305 : i32 to index
        %get3A_309 = tpu.vector_load %arg4[%get3A_307, %get3A_308] {strides = array<i32>} : memref<64x768xf32, #tpu.memory_space<vmem>>, vector<16xf32>,
        %mul3A_310 = arith.constant 16 : i32
        %mul3A_311 = arith.muli %scan3A_27, %mul3A_310 : i32
        %get3A_312 = arith.constant 36 : i32
        %get3A_313 = arith.index_cast %get3A_312 : i32 to index
        %get3A_314 = arith.index_cast %mul3A_311 : i32 to index
        %get3A_315 = tpu.vector_load %arg4[%get3A_313, %get3A_314] {strides = array<i32>} : memref<64x768xf32, #tpu.memory_space<vmem>>, vector<16xf32>,
        %mul3A_316 = arith.constant 16 : i32
        %mul3A_317 = arith.muli %scan3A_27, %mul3A_316 : i32
        %get3A_318 = arith.constant 37 : i32
        %get3A_319 = arith.index_cast %get3A_318 : i32 to index
        %get3A_320 = arith.index_cast %mul3A_317 : i32 to index
        %get3A_321 = tpu.vector_load %arg4[%get3A_319, %get3A_320] {strides = array<i32>} : memref<64x768xf32, #tpu.memory_space<vmem>>, vector<16xf32>,
        %mul3A_322 = arith.constant 16 : i32
        %mul3A_323 = arith.muli %scan3A_27, %mul3A_322 : i32
        %get3A_324 = arith.constant 38 : i32
        %get3A_325 = arith.index_cast %get3A_324 : i32 to index
        %get3A_326 = arith.index_cast %mul3A_323 : i32 to index
        %get3A_327 = tpu.vector_load %arg4[%get3A_325, %get3A_326] {strides = array<i32>} : memref<64x768xf32, #tpu.memory_space<vmem>>, vector<16xf32>,
        %mul3A_328 = arith.constant 16 : i32
        %mul3A_329 = arith.muli %scan3A_27, %mul3A_328 : i32
        %get3A_330 = arith.constant 39 : i32
        %get3A_331 = arith.index_cast %get3A_330 : i32 to index
        %get3A_332 = arith.index_cast %mul3A_329 : i32 to index
        %get3A_333 = tpu.vector_load %arg4[%get3A_331, %get3A_332] {strides = array<i32>} : memref<64x768xf32, #tpu.memory_space<vmem>>, vector<16xf32>,
        %broadcast_in_dim3A_334 = arith.constant 32 : i32
        %broadcast_in_dim3A_335 = vector.broadcast %broadcast_in_dim3A_334 : i32 to vector<16xi32>
        tpu.vector_store_idx %arg5[%add3A_31, %broadcast_in_dim3A_335], %get3A_291 : memref<768x65xf32, #tpu.memory_space<vmem>>[vector<16xi32>, vector<16xi32>], vector<16xf32>,
        %broadcast_in_dim3A_336 = arith.constant 33 : i32
        %broadcast_in_dim3A_337 = vector.broadcast %broadcast_in_dim3A_336 : i32 to vector<16xi32>
        tpu.vector_store_idx %arg5[%add3A_31, %broadcast_in_dim3A_337], %get3A_297 : memref<768x65xf32, #tpu.memory_space<vmem>>[vector<16xi32>, vector<16xi32>], vector<16xf32>,
        %broadcast_in_dim3A_338 = arith.constant 34 : i32
        %broadcast_in_dim3A_339 = vector.broadcast %broadcast_in_dim3A_338 : i32 to vector<16xi32>
        tpu.vector_store_idx %arg5[%add3A_31, %broadcast_in_dim3A_339], %get3A_303 : memref<768x65xf32, #tpu.memory_space<vmem>>[vector<16xi32>, vector<16xi32>], vector<16xf32>,
        %broadcast_in_dim3A_340 = arith.constant 35 : i32
        %broadcast_in_dim3A_341 = vector.broadcast %broadcast_in_dim3A_340 : i32 to vector<16xi32>
        tpu.vector_store_idx %arg5[%add3A_31, %broadcast_in_dim3A_341], %get3A_309 : memref<768x65xf32, #tpu.memory_space<vmem>>[vector<16xi32>, vector<16xi32>], vector<16xf32>,
        %broadcast_in_dim3A_342 = arith.constant 36 : i32
        %broadcast_in_dim3A_343 = vector.broadcast %broadcast_in_dim3A_342 : i32 to vector<16xi32>
        tpu.vector_store_idx %arg5[%add3A_31, %broadcast_in_dim3A_343], %get3A_315 : memref<768x65xf32, #tpu.memory_space<vmem>>[vector<16xi32>, vector<16xi32>], vector<16xf32>,
        %broadcast_in_dim3A_344 = arith.constant 37 : i32
        %broadcast_in_dim3A_345 = vector.broadcast %broadcast_in_dim3A_344 : i32 to vector<16xi32>
        tpu.vector_store_idx %arg5[%add3A_31, %broadcast_in_dim3A_345], %get3A_321 : memref<768x65xf32, #tpu.memory_space<vmem>>[vector<16xi32>, vector<16xi32>], vector<16xf32>,
        %broadcast_in_dim3A_346 = arith.constant 38 : i32
        %broadcast_in_dim3A_347 = vector.broadcast %broadcast_in_dim3A_346 : i32 to vector<16xi32>
        tpu.vector_store_idx %arg5[%add3A_31, %broadcast_in_dim3A_347], %get3A_327 : memref<768x65xf32, #tpu.memory_space<vmem>>[vector<16xi32>, vector<16xi32>], vector<16xf32>,
        %broadcast_in_dim3A_348 = arith.constant 39 : i32
        %broadcast_in_dim3A_349 = vector.broadcast %broadcast_in_dim3A_348 : i32 to vector<16xi32>
        tpu.vector_store_idx %arg5[%add3A_31, %broadcast_in_dim3A_349], %get3A_333 : memref<768x65xf32, #tpu.memory_space<vmem>>[vector<16xi32>, vector<16xi32>], vector<16xf32>,
        %mul3A_350 = arith.constant 16 : i32
        %mul3A_351 = arith.muli %scan3A_27, %mul3A_350 : i32
        %get3A_352 = arith.constant 40 : i32
        %get3A_353 = arith.index_cast %get3A_352 : i32 to index
        %get3A_354 = arith.index_cast %mul3A_351 : i32 to index
        %get3A_355 = tpu.vector_load %arg4[%get3A_353, %get3A_354] {strides = array<i32>} : memref<64x768xf32, #tpu.memory_space<vmem>>, vector<16xf32>,
        %mul3A_356 = arith.constant 16 : i32
        %mul3A_357 = arith.muli %scan3A_27, %mul3A_356 : i32
        %get3A_358 = arith.constant 41 : i32
        %get3A_359 = arith.index_cast %get3A_358 : i32 to index
        %get3A_360 = arith.index_cast %mul3A_357 : i32 to index
        %get3A_361 = tpu.vector_load %arg4[%get3A_359, %get3A_360] {strides = array<i32>} : memref<64x768xf32, #tpu.memory_space<vmem>>, vector<16xf32>,
        %mul3A_362 = arith.constant 16 : i32
        %mul3A_363 = arith.muli %scan3A_27, %mul3A_362 : i32
        %get3A_364 = arith.constant 42 : i32
        %get3A_365 = arith.index_cast %get3A_364 : i32 to index
        %get3A_366 = arith.index_cast %mul3A_363 : i32 to index
        %get3A_367 = tpu.vector_load %arg4[%get3A_365, %get3A_366] {strides = array<i32>} : memref<64x768xf32, #tpu.memory_space<vmem>>, vector<16xf32>,
        %mul3A_368 = arith.constant 16 : i32
        %mul3A_369 = arith.muli %scan3A_27, %mul3A_368 : i32
        %get3A_370 = arith.constant 43 : i32
        %get3A_371 = arith.index_cast %get3A_370 : i32 to index
        %get3A_372 = arith.index_cast %mul3A_369 : i32 to index
        %get3A_373 = tpu.vector_load %arg4[%get3A_371, %get3A_372] {strides = array<i32>} : memref<64x768xf32, #tpu.memory_space<vmem>>, vector<16xf32>,
        %mul3A_374 = arith.constant 16 : i32
        %mul3A_375 = arith.muli %scan3A_27, %mul3A_374 : i32
        %get3A_376 = arith.constant 44 : i32
        %get3A_377 = arith.index_cast %get3A_376 : i32 to index
        %get3A_378 = arith.index_cast %mul3A_375 : i32 to index
        %get3A_379 = tpu.vector_load %arg4[%get3A_377, %get3A_378] {strides = array<i32>} : memref<64x768xf32, #tpu.memory_space<vmem>>, vector<16xf32>,
        %mul3A_380 = arith.constant 16 : i32
        %mul3A_381 = arith.muli %scan3A_27, %mul3A_380 : i32
        %get3A_382 = arith.constant 45 : i32
        %get3A_383 = arith.index_cast %get3A_382 : i32 to index
        %get3A_384 = arith.index_cast %mul3A_381 : i32 to index
        %get3A_385 = tpu.vector_load %arg4[%get3A_383, %get3A_384] {strides = array<i32>} : memref<64x768xf32, #tpu.memory_space<vmem>>, vector<16xf32>,
        %mul3A_386 = arith.constant 16 : i32
        %mul3A_387 = arith.muli %scan3A_27, %mul3A_386 : i32
        %get3A_388 = arith.constant 46 : i32
        %get3A_389 = arith.index_cast %get3A_388 : i32 to index
        %get3A_390 = arith.index_cast %mul3A_387 : i32 to index
        %get3A_391 = tpu.vector_load %arg4[%get3A_389, %get3A_390] {strides = array<i32>} : memref<64x768xf32, #tpu.memory_space<vmem>>, vector<16xf32>,
        %mul3A_392 = arith.constant 16 : i32
        %mul3A_393 = arith.muli %scan3A_27, %mul3A_392 : i32
        %get3A_394 = arith.constant 47 : i32
        %get3A_395 = arith.index_cast %get3A_394 : i32 to index
        %get3A_396 = arith.index_cast %mul3A_393 : i32 to index
        %get3A_397 = tpu.vector_load %arg4[%get3A_395, %get3A_396] {strides = array<i32>} : memref<64x768xf32, #tpu.memory_space<vmem>>, vector<16xf32>,
        %broadcast_in_dim3A_398 = arith.constant 40 : i32
        %broadcast_in_dim3A_399 = vector.broadcast %broadcast_in_dim3A_398 : i32 to vector<16xi32>
        tpu.vector_store_idx %arg5[%add3A_31, %broadcast_in_dim3A_399], %get3A_355 : memref<768x65xf32, #tpu.memory_space<vmem>>[vector<16xi32>, vector<16xi32>], vector<16xf32>,
        %broadcast_in_dim3A_400 = arith.constant 41 : i32
        %broadcast_in_dim3A_401 = vector.broadcast %broadcast_in_dim3A_400 : i32 to vector<16xi32>
        tpu.vector_store_idx %arg5[%add3A_31, %broadcast_in_dim3A_401], %get3A_361 : memref<768x65xf32, #tpu.memory_space<vmem>>[vector<16xi32>, vector<16xi32>], vector<16xf32>,
        %broadcast_in_dim3A_402 = arith.constant 42 : i32
        %broadcast_in_dim3A_403 = vector.broadcast %broadcast_in_dim3A_402 : i32 to vector<16xi32>
        tpu.vector_store_idx %arg5[%add3A_31, %broadcast_in_dim3A_403], %get3A_367 : memref<768x65xf32, #tpu.memory_space<vmem>>[vector<16xi32>, vector<16xi32>], vector<16xf32>,
        %broadcast_in_dim3A_404 = arith.constant 43 : i32
        %broadcast_in_dim3A_405 = vector.broadcast %broadcast_in_dim3A_404 : i32 to vector<16xi32>
        tpu.vector_store_idx %arg5[%add3A_31, %broadcast_in_dim3A_405], %get3A_373 : memref<768x65xf32, #tpu.memory_space<vmem>>[vector<16xi32>, vector<16xi32>], vector<16xf32>,
        %broadcast_in_dim3A_406 = arith.constant 44 : i32
        %broadcast_in_dim3A_407 = vector.broadcast %broadcast_in_dim3A_406 : i32 to vector<16xi32>
        tpu.vector_store_idx %arg5[%add3A_31, %broadcast_in_dim3A_407], %get3A_379 : memref<768x65xf32, #tpu.memory_space<vmem>>[vector<16xi32>, vector<16xi32>], vector<16xf32>,
        %broadcast_in_dim3A_408 = arith.constant 45 : i32
        %broadcast_in_dim3A_409 = vector.broadcast %broadcast_in_dim3A_408 : i32 to vector<16xi32>
        tpu.vector_store_idx %arg5[%add3A_31, %broadcast_in_dim3A_409], %get3A_385 : memref<768x65xf32, #tpu.memory_space<vmem>>[vector<16xi32>, vector<16xi32>], vector<16xf32>,
        %broadcast_in_dim3A_410 = arith.constant 46 : i32
        %broadcast_in_dim3A_411 = vector.broadcast %broadcast_in_dim3A_410 : i32 to vector<16xi32>
        tpu.vector_store_idx %arg5[%add3A_31, %broadcast_in_dim3A_411], %get3A_391 : memref<768x65xf32, #tpu.memory_space<vmem>>[vector<16xi32>, vector<16xi32>], vector<16xf32>,
        %broadcast_in_dim3A_412 = arith.constant 47 : i32
        %broadcast_in_dim3A_413 = vector.broadcast %broadcast_in_dim3A_412 : i32 to vector<16xi32>
        tpu.vector_store_idx %arg5[%add3A_31, %broadcast_in_dim3A_413], %get3A_397 : memref<768x65xf32, #tpu.memory_space<vmem>>[vector<16xi32>, vector<16xi32>], vector<16xf32>,
        %mul3A_414 = arith.constant 16 : i32
        %mul3A_415 = arith.muli %scan3A_27, %mul3A_414 : i32
        %get3A_416 = arith.constant 48 : i32
        %get3A_417 = arith.index_cast %get3A_416 : i32 to index
        %get3A_418 = arith.index_cast %mul3A_415 : i32 to index
        %get3A_419 = tpu.vector_load %arg4[%get3A_417, %get3A_418] {strides = array<i32>} : memref<64x768xf32, #tpu.memory_space<vmem>>, vector<16xf32>,
        %mul3A_420 = arith.constant 16 : i32
        %mul3A_421 = arith.muli %scan3A_27, %mul3A_420 : i32
        %get3A_422 = arith.constant 49 : i32
        %get3A_423 = arith.index_cast %get3A_422 : i32 to index
        %get3A_424 = arith.index_cast %mul3A_421 : i32 to index
        %get3A_425 = tpu.vector_load %arg4[%get3A_423, %get3A_424] {strides = array<i32>} : memref<64x768xf32, #tpu.memory_space<vmem>>, vector<16xf32>,
        %mul3A_426 = arith.constant 16 : i32
        %mul3A_427 = arith.muli %scan3A_27, %mul3A_426 : i32
        %get3A_428 = arith.constant 50 : i32
        %get3A_429 = arith.index_cast %get3A_428 : i32 to index
        %get3A_430 = arith.index_cast %mul3A_427 : i32 to index
        %get3A_431 = tpu.vector_load %arg4[%get3A_429, %get3A_430] {strides = array<i32>} : memref<64x768xf32, #tpu.memory_space<vmem>>, vector<16xf32>,
        %mul3A_432 = arith.constant 16 : i32
        %mul3A_433 = arith.muli %scan3A_27, %mul3A_432 : i32
        %get3A_434 = arith.constant 51 : i32
        %get3A_435 = arith.index_cast %get3A_434 : i32 to index
        %get3A_436 = arith.index_cast %mul3A_433 : i32 to index
        %get3A_437 = tpu.vector_load %arg4[%get3A_435, %get3A_436] {strides = array<i32>} : memref<64x768xf32, #tpu.memory_space<vmem>>, vector<16xf32>,
        %mul3A_438 = arith.constant 16 : i32
        %mul3A_439 = arith.muli %scan3A_27, %mul3A_438 : i32
        %get3A_440 = arith.constant 52 : i32
        %get3A_441 = arith.index_cast %get3A_440 : i32 to index
        %get3A_442 = arith.index_cast %mul3A_439 : i32 to index
        %get3A_443 = tpu.vector_load %arg4[%get3A_441, %get3A_442] {strides = array<i32>} : memref<64x768xf32, #tpu.memory_space<vmem>>, vector<16xf32>,
        %mul3A_444 = arith.constant 16 : i32
        %mul3A_445 = arith.muli %scan3A_27, %mul3A_444 : i32
        %get3A_446 = arith.constant 53 : i32
        %get3A_447 = arith.index_cast %get3A_446 : i32 to index
        %get3A_448 = arith.index_cast %mul3A_445 : i32 to index
        %get3A_449 = tpu.vector_load %arg4[%get3A_447, %get3A_448] {strides = array<i32>} : memref<64x768xf32, #tpu.memory_space<vmem>>, vector<16xf32>,
        %mul3A_450 = arith.constant 16 : i32
        %mul3A_451 = arith.muli %scan3A_27, %mul3A_450 : i32
        %get3A_452 = arith.constant 54 : i32
        %get3A_453 = arith.index_cast %get3A_452 : i32 to index
        %get3A_454 = arith.index_cast %mul3A_451 : i32 to index
        %get3A_455 = tpu.vector_load %arg4[%get3A_453, %get3A_454] {strides = array<i32>} : memref<64x768xf32, #tpu.memory_space<vmem>>, vector<16xf32>,
        %mul3A_456 = arith.constant 16 : i32
        %mul3A_457 = arith.muli %scan3A_27, %mul3A_456 : i32
        %get3A_458 = arith.constant 55 : i32
        %get3A_459 = arith.index_cast %get3A_458 : i32 to index
        %get3A_460 = arith.index_cast %mul3A_457 : i32 to index
        %get3A_461 = tpu.vector_load %arg4[%get3A_459, %get3A_460] {strides = array<i32>} : memref<64x768xf32, #tpu.memory_space<vmem>>, vector<16xf32>,
        %broadcast_in_dim3A_462 = arith.constant 48 : i32
        %broadcast_in_dim3A_463 = vector.broadcast %broadcast_in_dim3A_462 : i32 to vector<16xi32>
        tpu.vector_store_idx %arg5[%add3A_31, %broadcast_in_dim3A_463], %get3A_419 : memref<768x65xf32, #tpu.memory_space<vmem>>[vector<16xi32>, vector<16xi32>], vector<16xf32>,
        %broadcast_in_dim3A_464 = arith.constant 49 : i32
        %broadcast_in_dim3A_465 = vector.broadcast %broadcast_in_dim3A_464 : i32 to vector<16xi32>
        tpu.vector_store_idx %arg5[%add3A_31, %broadcast_in_dim3A_465], %get3A_425 : memref<768x65xf32, #tpu.memory_space<vmem>>[vector<16xi32>, vector<16xi32>], vector<16xf32>,
        %broadcast_in_dim3A_466 = arith.constant 50 : i32
        %broadcast_in_dim3A_467 = vector.broadcast %broadcast_in_dim3A_466 : i32 to vector<16xi32>
        tpu.vector_store_idx %arg5[%add3A_31, %broadcast_in_dim3A_467], %get3A_431 : memref<768x65xf32, #tpu.memory_space<vmem>>[vector<16xi32>, vector<16xi32>], vector<16xf32>,
        %broadcast_in_dim3A_468 = arith.constant 51 : i32
        %broadcast_in_dim3A_469 = vector.broadcast %broadcast_in_dim3A_468 : i32 to vector<16xi32>
        tpu.vector_store_idx %arg5[%add3A_31, %broadcast_in_dim3A_469], %get3A_437 : memref<768x65xf32, #tpu.memory_space<vmem>>[vector<16xi32>, vector<16xi32>], vector<16xf32>,
        %broadcast_in_dim3A_470 = arith.constant 52 : i32
        %broadcast_in_dim3A_471 = vector.broadcast %broadcast_in_dim3A_470 : i32 to vector<16xi32>
        tpu.vector_store_idx %arg5[%add3A_31, %broadcast_in_dim3A_471], %get3A_443 : memref<768x65xf32, #tpu.memory_space<vmem>>[vector<16xi32>, vector<16xi32>], vector<16xf32>,
        %broadcast_in_dim3A_472 = arith.constant 53 : i32
        %broadcast_in_dim3A_473 = vector.broadcast %broadcast_in_dim3A_472 : i32 to vector<16xi32>
        tpu.vector_store_idx %arg5[%add3A_31, %broadcast_in_dim3A_473], %get3A_449 : memref<768x65xf32, #tpu.memory_space<vmem>>[vector<16xi32>, vector<16xi32>], vector<16xf32>,
        %broadcast_in_dim3A_474 = arith.constant 54 : i32
        %broadcast_in_dim3A_475 = vector.broadcast %broadcast_in_dim3A_474 : i32 to vector<16xi32>
        tpu.vector_store_idx %arg5[%add3A_31, %broadcast_in_dim3A_475], %get3A_455 : memref<768x65xf32, #tpu.memory_space<vmem>>[vector<16xi32>, vector<16xi32>], vector<16xf32>,
        %broadcast_in_dim3A_476 = arith.constant 55 : i32
        %broadcast_in_dim3A_477 = vector.broadcast %broadcast_in_dim3A_476 : i32 to vector<16xi32>
        tpu.vector_store_idx %arg5[%add3A_31, %broadcast_in_dim3A_477], %get3A_461 : memref<768x65xf32, #tpu.memory_space<vmem>>[vector<16xi32>, vector<16xi32>], vector<16xf32>,
        %mul3A_478 = arith.constant 16 : i32
        %mul3A_479 = arith.muli %scan3A_27, %mul3A_478 : i32
        %get3A_480 = arith.constant 56 : i32
        %get3A_481 = arith.index_cast %get3A_480 : i32 to index
        %get3A_482 = arith.index_cast %mul3A_479 : i32 to index
        %get3A_483 = tpu.vector_load %arg4[%get3A_481, %get3A_482] {strides = array<i32>} : memref<64x768xf32, #tpu.memory_space<vmem>>, vector<16xf32>,
        %mul3A_484 = arith.constant 16 : i32
        %mul3A_485 = arith.muli %scan3A_27, %mul3A_484 : i32
        %get3A_486 = arith.constant 57 : i32
        %get3A_487 = arith.index_cast %get3A_486 : i32 to index
        %get3A_488 = arith.index_cast %mul3A_485 : i32 to index
        %get3A_489 = tpu.vector_load %arg4[%get3A_487, %get3A_488] {strides = array<i32>} : memref<64x768xf32, #tpu.memory_space<vmem>>, vector<16xf32>,
        %mul3A_490 = arith.constant 16 : i32
        %mul3A_491 = arith.muli %scan3A_27, %mul3A_490 : i32
        %get3A_492 = arith.constant 58 : i32
        %get3A_493 = arith.index_cast %get3A_492 : i32 to index
        %get3A_494 = arith.index_cast %mul3A_491 : i32 to index
        %get3A_495 = tpu.vector_load %arg4[%get3A_493, %get3A_494] {strides = array<i32>} : memref<64x768xf32, #tpu.memory_space<vmem>>, vector<16xf32>,
        %mul3A_496 = arith.constant 16 : i32
        %mul3A_497 = arith.muli %scan3A_27, %mul3A_496 : i32
        %get3A_498 = arith.constant 59 : i32
        %get3A_499 = arith.index_cast %get3A_498 : i32 to index
        %get3A_500 = arith.index_cast %mul3A_497 : i32 to index
        %get3A_501 = tpu.vector_load %arg4[%get3A_499, %get3A_500] {strides = array<i32>} : memref<64x768xf32, #tpu.memory_space<vmem>>, vector<16xf32>,
        %mul3A_502 = arith.constant 16 : i32
        %mul3A_503 = arith.muli %scan3A_27, %mul3A_502 : i32
        %get3A_504 = arith.constant 60 : i32
        %get3A_505 = arith.index_cast %get3A_504 : i32 to index
        %get3A_506 = arith.index_cast %mul3A_503 : i32 to index
        %get3A_507 = tpu.vector_load %arg4[%get3A_505, %get3A_506] {strides = array<i32>} : memref<64x768xf32, #tpu.memory_space<vmem>>, vector<16xf32>,
        %mul3A_508 = arith.constant 16 : i32
        %mul3A_509 = arith.muli %scan3A_27, %mul3A_508 : i32
        %get3A_510 = arith.constant 61 : i32
        %get3A_511 = arith.index_cast %get3A_510 : i32 to index
        %get3A_512 = arith.index_cast %mul3A_509 : i32 to index
        %get3A_513 = tpu.vector_load %arg4[%get3A_511, %get3A_512] {strides = array<i32>} : memref<64x768xf32, #tpu.memory_space<vmem>>, vector<16xf32>,
        %mul3A_514 = arith.constant 16 : i32
        %mul3A_515 = arith.muli %scan3A_27, %mul3A_514 : i32
        %get3A_516 = arith.constant 62 : i32
        %get3A_517 = arith.index_cast %get3A_516 : i32 to index
        %get3A_518 = arith.index_cast %mul3A_515 : i32 to index
        %get3A_519 = tpu.vector_load %arg4[%get3A_517, %get3A_518] {strides = array<i32>} : memref<64x768xf32, #tpu.memory_space<vmem>>, vector<16xf32>,
        %mul3A_520 = arith.constant 16 : i32
        %mul3A_521 = arith.muli %scan3A_27, %mul3A_520 : i32
        %get3A_522 = arith.constant 63 : i32
        %get3A_523 = arith.index_cast %get3A_522 : i32 to index
        %get3A_524 = arith.index_cast %mul3A_521 : i32 to index
        %get3A_525 = tpu.vector_load %arg4[%get3A_523, %get3A_524] {strides = array<i32>} : memref<64x768xf32, #tpu.memory_space<vmem>>, vector<16xf32>,
        %broadcast_in_dim3A_526 = arith.constant 56 : i32
        %broadcast_in_dim3A_527 = vector.broadcast %broadcast_in_dim3A_526 : i32 to vector<16xi32>
        tpu.vector_store_idx %arg5[%add3A_31, %broadcast_in_dim3A_527], %get3A_483 : memref<768x65xf32, #tpu.memory_space<vmem>>[vector<16xi32>, vector<16xi32>], vector<16xf32>,
        %broadcast_in_dim3A_528 = arith.constant 57 : i32
        %broadcast_in_dim3A_529 = vector.broadcast %broadcast_in_dim3A_528 : i32 to vector<16xi32>
        tpu.vector_store_idx %arg5[%add3A_31, %broadcast_in_dim3A_529], %get3A_489 : memref<768x65xf32, #tpu.memory_space<vmem>>[vector<16xi32>, vector<16xi32>], vector<16xf32>,
        %broadcast_in_dim3A_530 = arith.constant 58 : i32
        %broadcast_in_dim3A_531 = vector.broadcast %broadcast_in_dim3A_530 : i32 to vector<16xi32>
        tpu.vector_store_idx %arg5[%add3A_31, %broadcast_in_dim3A_531], %get3A_495 : memref<768x65xf32, #tpu.memory_space<vmem>>[vector<16xi32>, vector<16xi32>], vector<16xf32>,
        %broadcast_in_dim3A_532 = arith.constant 59 : i32
        %broadcast_in_dim3A_533 = vector.broadcast %broadcast_in_dim3A_532 : i32 to vector<16xi32>
        tpu.vector_store_idx %arg5[%add3A_31, %broadcast_in_dim3A_533], %get3A_501 : memref<768x65xf32, #tpu.memory_space<vmem>>[vector<16xi32>, vector<16xi32>], vector<16xf32>,
        %broadcast_in_dim3A_534 = arith.constant 60 : i32
        %broadcast_in_dim3A_535 = vector.broadcast %broadcast_in_dim3A_534 : i32 to vector<16xi32>
        tpu.vector_store_idx %arg5[%add3A_31, %broadcast_in_dim3A_535], %get3A_507 : memref<768x65xf32, #tpu.memory_space<vmem>>[vector<16xi32>, vector<16xi32>], vector<16xf32>,
        %broadcast_in_dim3A_536 = arith.constant 61 : i32
        %broadcast_in_dim3A_537 = vector.broadcast %broadcast_in_dim3A_536 : i32 to vector<16xi32>
        tpu.vector_store_idx %arg5[%add3A_31, %broadcast_in_dim3A_537], %get3A_513 : memref<768x65xf32, #tpu.memory_space<vmem>>[vector<16xi32>, vector<16xi32>], vector<16xf32>,
        %broadcast_in_dim3A_538 = arith.constant 62 : i32
        %broadcast_in_dim3A_539 = vector.broadcast %broadcast_in_dim3A_538 : i32 to vector<16xi32>
        tpu.vector_store_idx %arg5[%add3A_31, %broadcast_in_dim3A_539], %get3A_519 : memref<768x65xf32, #tpu.memory_space<vmem>>[vector<16xi32>, vector<16xi32>], vector<16xf32>,
        %broadcast_in_dim3A_540 = arith.constant 63 : i32
        %broadcast_in_dim3A_541 = vector.broadcast %broadcast_in_dim3A_540 : i32 to vector<16xi32>
        tpu.vector_store_idx %arg5[%add3A_31, %broadcast_in_dim3A_541], %get3A_525 : memref<768x65xf32, #tpu.memory_space<vmem>>[vector<16xi32>, vector<16xi32>], vector<16xf32>,
      }
      %scan3A_26 = arith.constant 48 : i32
      "tpu.region"() ({
        %run_scoped3A = tpu.sem_alloc : memref<!tpu.dma_semaphore, #tpu.memory_space<semaphore_mem>>
        %dma_start3A = arith.constant 0 : i32
        %dma_start3A_27 = arith.constant 0 : i32
        %dma_start3A_28 = tpu.memref_slice %arg5[%dma_start3A, %dma_start3A_27] : memref<768x65xf32, #tpu.memory_space<vmem>> -> memref<768x64xf32, #tpu.memory_space<vmem>>
        %dma_start3A_29 = arith.constant 0 : i32
        %dma_start3A_30 = tpu.memref_slice %arg3[%multiple_of3A, %dma_start3A_29] : memref<1000000x64xf32, #tpu.memory_space<hbm>> -> memref<768x64xf32, #tpu.memory_space<hbm>>
        %dma_start3A_31 = arith.constant 0 : i32
        %dma_start3A_32 = tpu.memref_slice %arg3[%multiple_of3A, %dma_start3A_31] : memref<1000000x64xf32, #tpu.memory_space<hbm>> -> memref<768x64xf32, #tpu.memory_space<hbm>>
        %dma_start3A_33 = arith.constant 0 : i32
        %dma_start3A_34 = arith.constant 0 : i32
        %dma_start3A_35 = tpu.memref_slice %arg5[%dma_start3A_33, %dma_start3A_34] : memref<768x65xf32, #tpu.memory_space<vmem>> -> memref<768x64xf32, #tpu.memory_space<vmem>>
        tpu.enqueue_dma source(%dma_start3A_35 : memref<768x64xf32, #tpu.memory_space<vmem>>) target(%dma_start3A_32 : memref<768x64xf32, #tpu.memory_space<hbm>>) target_semaphore(%run_scoped3A : memref<!tpu.dma_semaphore, #tpu.memory_space<semaphore_mem>>)
        %dma_wait3A = arith.constant 0 : i32
        %dma_wait3A_36 = arith.constant 0 : i32
        %dma_wait3A_37 = tpu.memref_slice %arg5[%dma_wait3A, %dma_wait3A_36] : memref<768x65xf32, #tpu.memory_space<vmem>> -> memref<768x64xf32, #tpu.memory_space<vmem>>
        %dma_wait3A_38 = arith.constant 0 : i32
        %dma_wait3A_39 = tpu.memref_slice %arg3[%multiple_of3A, %dma_wait3A_38] : memref<1000000x64xf32, #tpu.memory_space<hbm>> -> memref<768x64xf32, #tpu.memory_space<hbm>>
        %dma_wait3A_40 = arith.constant 0 : i32
        %dma_wait3A_41 = tpu.memref_slice %arg3[%multiple_of3A, %dma_wait3A_40] : memref<1000000x64xf32, #tpu.memory_space<hbm>> -> memref<768x64xf32, #tpu.memory_space<hbm>>
        %dma_wait3A_42 = arith.constant 0 : i32
        %dma_wait3A_43 = arith.constant 0 : i32
        %dma_wait3A_44 = tpu.memref_slice %arg5[%dma_wait3A_42, %dma_wait3A_43] : memref<768x65xf32, #tpu.memory_space<vmem>> -> memref<768x64xf32, #tpu.memory_space<vmem>>
        tpu.wait_dma2 semaphore(%run_scoped3A : memref<!tpu.dma_semaphore, #tpu.memory_space<semaphore_mem>>) src(%dma_wait3A_44 : memref<768x64xf32, #tpu.memory_space<vmem>>) dst(%dma_wait3A_41 : memref<768x64xf32, #tpu.memory_space<hbm>>)
        tpu.yield
      }) : () -> ()
    }
    return
  }
}

#map = affine_map<(d0, d1) -> (0)>
#map1 = affine_map<(d0, d1) -> (0, 0)>
module attributes {stable_mosaic.version = 14 : i64} {
  func.func @soft_embed(%arg0: i32, %arg1: i32, %arg2: memref<204800xi32, #tpu.memory_space<hbm>>, %arg3: memref<1000000x64xf32, #tpu.memory_space<hbm>>, %arg4: memref<20x64xf32, #tpu.memory_space<hbm>>, %arg5: memref<204800x64xf32, #tpu.memory_space<hbm>>, %arg6: memref<184xi32, #tpu.memory_space<vmem>>, %arg7: memref<184x64xf32, #tpu.memory_space<vmem>>, %arg8: memref<20x64xf32, #tpu.memory_space<vmem>>, %arg9: memref<!tpu.dma_semaphore, #tpu.memory_space<semaphore_mem>>) attributes {dimension_semantics = [#tpu.dimension_semantics<core_parallel>, #tpu.dimension_semantics<subcore_parallel>], iteration_bounds = array<i64: 2, 16>, scalar_prefetch = 0 : i64, scratch_operands = 4 : i64, tpu.core_type = #tpu.core_type<sc_vector_subcore>, window_params = [{transform_indices = #map}, {transform_indices = #map1}, {transform_indices = #map1}, {transform_indices = #map1}]} {
    %mul3A = arith.constant 2 : i32
    %mul3A_0 = arith.muli %arg1, %mul3A : i32
    %add3A = arith.addi %mul3A_0, %arg0 : i32
    %mul3A_1 = arith.constant 32 : i32
    %mul3A_2 = arith.muli %add3A, %mul3A_1 : i32
    "tpu.region"() ({
      %run_scoped3A = tpu.sem_alloc : memref<!tpu.dma_semaphore, #tpu.memory_space<semaphore_mem>>
      tpu.enqueue_dma source(%arg4 : memref<20x64xf32, #tpu.memory_space<hbm>>) target(%arg8 : memref<20x64xf32, #tpu.memory_space<vmem>>) target_semaphore(%run_scoped3A : memref<!tpu.dma_semaphore, #tpu.memory_space<semaphore_mem>>)
      tpu.wait_dma2 semaphore(%run_scoped3A : memref<!tpu.dma_semaphore, #tpu.memory_space<semaphore_mem>>) src(%arg4 : memref<20x64xf32, #tpu.memory_space<hbm>>) dst(%arg8 : memref<20x64xf32, #tpu.memory_space<vmem>>)
      tpu.yield
    }) : () -> ()
    %scan3A = arith.constant 0 : i32
    %scan3A_3 = arith.constant 0 : i32
    %scan3A_4 = arith.constant 32 : i32
    %scan3A_5 = arith.addi %scan3A_3, %scan3A_4 : i32
    %scan3A_6 = arith.constant 1 : i32
    scf.for %scan3A_8 = %scan3A_3 to %scan3A_5 step %scan3A_6  : i32 {
      %add3A_9 = arith.addi %mul3A_2, %scan3A_8 : i32
      %mul3A_10 = arith.constant 200 : i32
      %mul3A_11 = arith.muli %add3A_9, %mul3A_10 : i32
      %add3A_12 = arith.constant 16 : i32
      %add3A_13 = arith.addi %mul3A_11, %add3A_12 : i32
      "tpu.region"() ({
        %run_scoped3A = tpu.sem_alloc : memref<!tpu.dma_semaphore, #tpu.memory_space<semaphore_mem>>
        %dma_start3A_50 = tpu.memref_slice %arg2[%add3A_13] : memref<204800xi32, #tpu.memory_space<hbm>> -> memref<184xi32, #tpu.memory_space<hbm>>
        %dma_start3A_51 = tpu.memref_slice %arg2[%add3A_13] : memref<204800xi32, #tpu.memory_space<hbm>> -> memref<184xi32, #tpu.memory_space<hbm>>
        tpu.enqueue_dma source(%dma_start3A_51 : memref<184xi32, #tpu.memory_space<hbm>>) target(%arg6 : memref<184xi32, #tpu.memory_space<vmem>>) target_semaphore(%run_scoped3A : memref<!tpu.dma_semaphore, #tpu.memory_space<semaphore_mem>>)
        %dma_wait3A_52 = tpu.memref_slice %arg2[%add3A_13] : memref<204800xi32, #tpu.memory_space<hbm>> -> memref<184xi32, #tpu.memory_space<hbm>>
        %dma_wait3A_53 = tpu.memref_slice %arg2[%add3A_13] : memref<204800xi32, #tpu.memory_space<hbm>> -> memref<184xi32, #tpu.memory_space<hbm>>
        tpu.wait_dma2 semaphore(%run_scoped3A : memref<!tpu.dma_semaphore, #tpu.memory_space<semaphore_mem>>) src(%dma_wait3A_53 : memref<184xi32, #tpu.memory_space<hbm>>) dst(%arg6 : memref<184xi32, #tpu.memory_space<vmem>>)
        tpu.yield
      }) : () -> ()
      %dma_start3A = arith.constant 0 : i32
      %dma_start3A_14 = arith.constant 0 : i32
      %dma_start3A_15 = tpu.memref_slice %arg7[%dma_start3A, %dma_start3A_14] : memref<184x64xf32, #tpu.memory_space<vmem>> -> memref<96x64xf32, #tpu.memory_space<vmem>>
      %dma_start3A_16 = arith.constant 0 : i32
      %dma_start3A_17 = tpu.memref_slice %arg6[%dma_start3A_16] : memref<184xi32, #tpu.memory_space<vmem>> -> memref<96xi32, #tpu.memory_space<vmem>>
      %dma_start3A_18 = arith.constant 0 : i32
      %dma_start3A_19 = arith.constant 0 : i32
      %dma_start3A_20 = tpu.memref_slice %arg3[%dma_start3A_18, %dma_start3A_19] : memref<1000000x64xf32, #tpu.memory_space<hbm>> -> memref<1000000x64xf32, #tpu.memory_space<hbm>>
      tpu.enqueue_indirect_dma source(%dma_start3A_20 : memref<1000000x64xf32, #tpu.memory_space<hbm>>) target(%dma_start3A_15 : memref<96x64xf32, #tpu.memory_space<vmem>>) offsets(%dma_start3A_17 : memref<96xi32, #tpu.memory_space<vmem>>) semaphore(%arg9 : memref<!tpu.dma_semaphore, #tpu.memory_space<semaphore_mem>>)
      %dma_start3A_21 = arith.constant 96 : i32
      %dma_start3A_22 = arith.constant 0 : i32
      %dma_start3A_23 = tpu.memref_slice %arg7[%dma_start3A_21, %dma_start3A_22] : memref<184x64xf32, #tpu.memory_space<vmem>> -> memref<88x64xf32, #tpu.memory_space<vmem>>
      %dma_start3A_24 = arith.constant 96 : i32
      %dma_start3A_25 = tpu.memref_slice %arg6[%dma_start3A_24] : memref<184xi32, #tpu.memory_space<vmem>> -> memref<88xi32, #tpu.memory_space<vmem>>
      %dma_start3A_26 = arith.constant 0 : i32
      %dma_start3A_27 = arith.constant 0 : i32
      %dma_start3A_28 = tpu.memref_slice %arg3[%dma_start3A_26, %dma_start3A_27] : memref<1000000x64xf32, #tpu.memory_space<hbm>> -> memref<1000000x64xf32, #tpu.memory_space<hbm>>
      tpu.enqueue_indirect_dma source(%dma_start3A_28 : memref<1000000x64xf32, #tpu.memory_space<hbm>>) target(%dma_start3A_23 : memref<88x64xf32, #tpu.memory_space<vmem>>) offsets(%dma_start3A_25 : memref<88xi32, #tpu.memory_space<vmem>>) semaphore(%arg9 : memref<!tpu.dma_semaphore, #tpu.memory_space<semaphore_mem>>)
      %mul3A_29 = arith.constant 200 : i32
      %mul3A_30 = arith.muli %add3A_9, %mul3A_29 : i32
      "tpu.region"() ({
        %run_scoped3A = tpu.sem_alloc : memref<!tpu.dma_semaphore, #tpu.memory_space<semaphore_mem>>
        %dma_start3A_50 = arith.constant 0 : i32
        %dma_start3A_51 = tpu.memref_slice %arg5[%mul3A_30, %dma_start3A_50] : memref<204800x64xf32, #tpu.memory_space<hbm>> -> memref<20x64xf32, #tpu.memory_space<hbm>>
        %dma_start3A_52 = arith.constant 0 : i32
        %dma_start3A_53 = tpu.memref_slice %arg5[%mul3A_30, %dma_start3A_52] : memref<204800x64xf32, #tpu.memory_space<hbm>> -> memref<20x64xf32, #tpu.memory_space<hbm>>
        tpu.enqueue_dma source(%arg8 : memref<20x64xf32, #tpu.memory_space<vmem>>) target(%dma_start3A_53 : memref<20x64xf32, #tpu.memory_space<hbm>>) target_semaphore(%run_scoped3A : memref<!tpu.dma_semaphore, #tpu.memory_space<semaphore_mem>>)
        %dma_wait3A_54 = arith.constant 0 : i32
        %dma_wait3A_55 = tpu.memref_slice %arg5[%mul3A_30, %dma_wait3A_54] : memref<204800x64xf32, #tpu.memory_space<hbm>> -> memref<20x64xf32, #tpu.memory_space<hbm>>
        %dma_wait3A_56 = arith.constant 0 : i32
        %dma_wait3A_57 = tpu.memref_slice %arg5[%mul3A_30, %dma_wait3A_56] : memref<204800x64xf32, #tpu.memory_space<hbm>> -> memref<20x64xf32, #tpu.memory_space<hbm>>
        tpu.wait_dma2 semaphore(%run_scoped3A : memref<!tpu.dma_semaphore, #tpu.memory_space<semaphore_mem>>) src(%arg8 : memref<20x64xf32, #tpu.memory_space<vmem>>) dst(%dma_wait3A_57 : memref<20x64xf32, #tpu.memory_space<hbm>>)
        tpu.yield
      }) : () -> ()
      %dma_wait3A = arith.constant 0 : i32
      %dma_wait3A_31 = arith.constant 0 : i32
      %dma_wait3A_32 = tpu.memref_slice %arg7[%dma_wait3A, %dma_wait3A_31] : memref<184x64xf32, #tpu.memory_space<vmem>> -> memref<96x64xf32, #tpu.memory_space<vmem>>
      %dma_wait3A_33 = arith.constant 0 : i32
      %dma_wait3A_34 = tpu.memref_slice %arg6[%dma_wait3A_33] : memref<184xi32, #tpu.memory_space<vmem>> -> memref<96xi32, #tpu.memory_space<vmem>>
      %dma_wait3A_35 = arith.constant 0 : i32
      %dma_wait3A_36 = arith.constant 0 : i32
      %dma_wait3A_37 = tpu.memref_slice %arg3[%dma_wait3A_35, %dma_wait3A_36] : memref<1000000x64xf32, #tpu.memory_space<hbm>> -> memref<1000000x64xf32, #tpu.memory_space<hbm>>
      tpu.wait_indirect_dma semaphore(%arg9 : memref<!tpu.dma_semaphore, #tpu.memory_space<semaphore_mem>>) src(%dma_wait3A_37 : memref<1000000x64xf32, #tpu.memory_space<hbm>>) dst(%dma_wait3A_32 : memref<96x64xf32, #tpu.memory_space<vmem>>)
      %dma_wait3A_38 = arith.constant 96 : i32
      %dma_wait3A_39 = arith.constant 0 : i32
      %dma_wait3A_40 = tpu.memref_slice %arg7[%dma_wait3A_38, %dma_wait3A_39] : memref<184x64xf32, #tpu.memory_space<vmem>> -> memref<88x64xf32, #tpu.memory_space<vmem>>
      %dma_wait3A_41 = arith.constant 96 : i32
      %dma_wait3A_42 = tpu.memref_slice %arg6[%dma_wait3A_41] : memref<184xi32, #tpu.memory_space<vmem>> -> memref<88xi32, #tpu.memory_space<vmem>>
      %dma_wait3A_43 = arith.constant 0 : i32
      %dma_wait3A_44 = arith.constant 0 : i32
      %dma_wait3A_45 = tpu.memref_slice %arg3[%dma_wait3A_43, %dma_wait3A_44] : memref<1000000x64xf32, #tpu.memory_space<hbm>> -> memref<1000000x64xf32, #tpu.memory_space<hbm>>
      tpu.wait_indirect_dma semaphore(%arg9 : memref<!tpu.dma_semaphore, #tpu.memory_space<semaphore_mem>>) src(%dma_wait3A_45 : memref<1000000x64xf32, #tpu.memory_space<hbm>>) dst(%dma_wait3A_40 : memref<88x64xf32, #tpu.memory_space<vmem>>)
      %mul3A_46 = arith.constant 200 : i32
      %mul3A_47 = arith.muli %add3A_9, %mul3A_46 : i32
      %add3A_48 = arith.constant 20 : i32
      %add3A_49 = arith.addi %mul3A_47, %add3A_48 : i32
      "tpu.region"() ({
        %run_scoped3A = tpu.sem_alloc : memref<!tpu.dma_semaphore, #tpu.memory_space<semaphore_mem>>
        %dma_start3A_50 = arith.constant 4 : i32
        %dma_start3A_51 = arith.constant 0 : i32
        %dma_start3A_52 = tpu.memref_slice %arg7[%dma_start3A_50, %dma_start3A_51] : memref<184x64xf32, #tpu.memory_space<vmem>> -> memref<180x64xf32, #tpu.memory_space<vmem>>
        %dma_start3A_53 = arith.constant 0 : i32
        %dma_start3A_54 = tpu.memref_slice %arg5[%add3A_49, %dma_start3A_53] : memref<204800x64xf32, #tpu.memory_space<hbm>> -> memref<180x64xf32, #tpu.memory_space<hbm>>
        %dma_start3A_55 = arith.constant 0 : i32
        %dma_start3A_56 = tpu.memref_slice %arg5[%add3A_49, %dma_start3A_55] : memref<204800x64xf32, #tpu.memory_space<hbm>> -> memref<180x64xf32, #tpu.memory_space<hbm>>
        %dma_start3A_57 = arith.constant 4 : i32
        %dma_start3A_58 = arith.constant 0 : i32
        %dma_start3A_59 = tpu.memref_slice %arg7[%dma_start3A_57, %dma_start3A_58] : memref<184x64xf32, #tpu.memory_space<vmem>> -> memref<180x64xf32, #tpu.memory_space<vmem>>
        tpu.enqueue_dma source(%dma_start3A_59 : memref<180x64xf32, #tpu.memory_space<vmem>>) target(%dma_start3A_56 : memref<180x64xf32, #tpu.memory_space<hbm>>) target_semaphore(%run_scoped3A : memref<!tpu.dma_semaphore, #tpu.memory_space<semaphore_mem>>)
        %dma_wait3A_60 = arith.constant 4 : i32
        %dma_wait3A_61 = arith.constant 0 : i32
        %dma_wait3A_62 = tpu.memref_slice %arg7[%dma_wait3A_60, %dma_wait3A_61] : memref<184x64xf32, #tpu.memory_space<vmem>> -> memref<180x64xf32, #tpu.memory_space<vmem>>
        %dma_wait3A_63 = arith.constant 0 : i32
        %dma_wait3A_64 = tpu.memref_slice %arg5[%add3A_49, %dma_wait3A_63] : memref<204800x64xf32, #tpu.memory_space<hbm>> -> memref<180x64xf32, #tpu.memory_space<hbm>>
        %dma_wait3A_65 = arith.constant 0 : i32
        %dma_wait3A_66 = tpu.memref_slice %arg5[%add3A_49, %dma_wait3A_65] : memref<204800x64xf32, #tpu.memory_space<hbm>> -> memref<180x64xf32, #tpu.memory_space<hbm>>
        %dma_wait3A_67 = arith.constant 4 : i32
        %dma_wait3A_68 = arith.constant 0 : i32
        %dma_wait3A_69 = tpu.memref_slice %arg7[%dma_wait3A_67, %dma_wait3A_68] : memref<184x64xf32, #tpu.memory_space<vmem>> -> memref<180x64xf32, #tpu.memory_space<vmem>>
        tpu.wait_dma2 semaphore(%run_scoped3A : memref<!tpu.dma_semaphore, #tpu.memory_space<semaphore_mem>>) src(%dma_wait3A_69 : memref<180x64xf32, #tpu.memory_space<vmem>>) dst(%dma_wait3A_66 : memref<180x64xf32, #tpu.memory_space<hbm>>)
        tpu.yield
      }) : () -> ()
    }
    %scan3A_7 = arith.constant 32 : i32
    return
  }
}

</mosaic_0001>

<sc_bundles>
// kernel: kernel.4.cloned.1.call-start
scs
__scs_entry_jumppad:
0x0: {  	(pc) =	sbr.rel $0x88, $3  }
0x1: {  	(tag) =	ssettag $0x0;
	lr =	simm.s32 $0x1  }
0x2: {  	[smem:$0x3F9E] =	sst lr;
	_ =	strace $0xD0000000  }
0x3: {  	_ = 	snop  }
0x4: {  	_ = 	snop  }
0x5: {  	_ = 	snop  }
0x6: {  	_ = 	snop  }
0x7: {  	_ = 	snop  }
__scs_overlays_trampoline_lowered:
0x8: {  	[smem:$0x3FAD] =	sst s0  }
0x9: {  	[smem:$0x3FAE] =	sst s1  }
0xa: {  	[smem:$0x3FAF] =	sst s2  }
0xb: {  	[smem:$0x3FB0] =	sst s3  }
0xc: {  	[smem:$0x3FB1] =	sst s4  }
0xd: {  	[smem:$0x3FB2] =	sst s5  }
0xe: {  	[smem:$0x3FB3] =	sst s6  }
0xf: {  	[smem:$0x3FB4] =	sst s7  }
0x10: {  	[smem:$0x3FB5] =	sst s8  }
0x11: {  	[smem:$0x3FB6] =	sst s9;
	s0 =	simm.s32 @!p0 $0x0  }
0x12: {  	s1 =	sld [smem:$0x3F9C];
	s0 =	simm.s32 @p0 $0x1  }
0x13: {  	[smem:$0x3FB7] =	sst s0;
	s0 =	simm.s32 @!p1 $0x0  }
0x14: {  	s2 =	sld [smem:$0x3F9B];
	s0 =	simm.s32 @p1 $0x1  }
0x15: {  	[smem:$0x3FB8] =	sst s0;
	s0 =	simm.s32 @!p2 $0x0  }
0x16: {  	s3 =	sld [smem:$0x3FDB];
	s0 =	simm.s32 @p2 $0x1  }
0x17: {  	s4 =	simm.s32 $0x1BF5;
	[smem:$0x3FBA] =	sst s0  }
0x18: {  	s0 =	sld [smem:$0x3F9D];
	_ =	swait.ge [sflag:s4], $0x0  }
0x19: {  	s7 =	sld [smem:$0x3F9E]  }
0x1a: {  	s8 =	sadd.s32 $0xFFFFE003, lr  }
0x1b: {  	s9 =	sadd.s32 $0xFFFFFEF7, lr;
	s5 =	simm.s32 $0xFFFFFFFF;
	p2 =	slt.u32 s8, $0xFFFFF086  }
0x1c: {  	p1 =	slt.u32 s9, $0xF7A;
	s5 =	simm.s32 @!p2 $0x0  }
0x1d: {  	s5 =	simm.s32 @p1 $0x1;
	p0 =	seq.s32 s7, s2  }
0x1e: {  	s7 =	smul.u32 @!p0 $0xF7A, s2;
	p2 =	seq.s32 @!p0 s5, $0x0  }
0x1f: {  	s9 =	smul.u32 $0xF7A, s1;
	s8 =	simm.s32 @!p0 $0x1BF5;
	p2 =	por !p2, p0  }
0x20: {  	[sflag:s8] =	ssyncset.s32 @!p0 $0xFFFFF086;
	s6 =	sadd.s32 @!p0 s3, s7;
	s7 =	simm.s32 @!p0 $0x108  }
0x21: {  	s3 =	sadd.s32 s3, s9;
	s6 =	sadd.s32 @!p0 $0x88, s6;
	s7 =	simm.s32 @p2 $0x1082  }
0x22: {  	[simem:s7], [sflag:s8] =	dma.local @!p0 [hbm:s6], $0xF7A  }
0x23: {  	s9 =	sor.u32 $0xD0000000, s2;
	s6 =	simm.s32 $0x108;
	_ =	swait.ge @!p0 [sflag:s8], $0x0  }
0x24: {  	s3 =	sadd.s32 $0x88, s3;
	s6 =	simm.s32 @!p1 $0x1082;
	[sflag:s4] =	ssyncset.s32 $0xFFFFF086  }
0x25: {  	[simem:s6], [sflag:s4] =	dma.local [hbm:s3], $0xF7A  }
0x26: {  	[smem:$0x3F9E] =	sst s1;
	(tag) =	ssettag s2;
	_ =	strace s9  }
0x27: {  	s1 =	sld [smem:$0x3FAE]  }
0x28: {  	s2 =	sld [smem:$0x3FAF]  }
0x29: {  	s4 =	sld [smem:$0x3FB1]  }
0x2a: {  	p0 =	seq.s32 s5, $0x0;
	s5 =	sld [smem:$0x3FB2]  }
0x2b: {  	s6 =	sld [smem:$0x3FB3]  }
0x2c: {  	s7 =	sld [smem:$0x3FB4]  }
0x2d: {  	s3 =	simm.s32 $0x108;
	s8 =	sld [smem:$0x3FB5]  }
0x2e: {  	s3 =	simm.s32 @!p0 $0x1082;
	s9 =	sld [smem:$0x3FB6]  }
0x2f: {  	lr =	sadd.s32 s0, s3;
	s0 =	sld [smem:$0x3FAD]  }
0x30: {  	s3 =	sld [smem:$0x3FB0]  }
0x31: {  	[smem:$0x3FB9] =	sst s10  }
0x32: {  	s10 =	sld [smem:$0x3FB7];
	_ =	sdelay $0x3  }
0x33: {  	p0 =	seq.s32 s10, $0x1;
	s10 =	sld [smem:$0x3FB9];
	_ =	sdelay $0x3  }
0x34: {  	[smem:$0x3FB9] =	sst s10  }
0x35: {  	s10 =	sld [smem:$0x3FB8];
	_ =	sdelay $0x3  }
0x36: {  	p1 =	seq.s32 s10, $0x1;
	s10 =	sld [smem:$0x3FB9];
	_ =	sdelay $0x3  }
0x37: {  	[smem:$0x3FB9] =	sst s10  }
0x38: {  	s10 =	sld [smem:$0x3FBA]  }
0x39: {  	_ = 	snop;
	(pc) =	sbr.ind lr, $3  }
0x3a: {  	_ = 	snop  }
0x3b: {  	_ = 	snop  }
0x3c: {  	p2 =	seq.s32 s10, $0x1;
	s10 =	sld [smem:$0x3FB9]  }
0x3d: {  	_ =	shalt  }
0x3e: {  	_ =	shalt  }
0x3f: {  	_ =	shalt  }
0x40: {  	_ =	shalt  }
0x41: {  	_ =	shalt  }
0x42: {  	_ =	shalt  }
0x43: {  	_ =	shalt  }
0x44: {  	_ =	shalt  }
0x45: {  	_ =	shalt  }
0x46: {  	_ =	shalt  }
0x47: {  	_ =	shalt  }
0x48: {  	_ =	shalt  }
0x49: {  	_ =	shalt  }
0x4a: {  	_ =	shalt  }
0x4b: {  	_ =	shalt  }
0x4c: {  	_ =	shalt  }
0x4d: {  	_ =	shalt  }
0x4e: {  	_ =	shalt  }
0x4f: {  	_ =	shalt  }
0x50: {  	_ =	shalt  }
0x51: {  	_ =	shalt  }
0x52: {  	_ =	shalt  }
0x53: {  	_ =	shalt  }
0x54: {  	_ =	shalt  }
0x55: {  	_ =	shalt  }
0x56: {  	_ =	shalt  }
0x57: {  	_ =	shalt  }
0x58: {  	_ =	shalt  }
0x59: {  	_ =	shalt  }
0x5a: {  	_ =	shalt  }
0x5b: {  	_ =	shalt  }
0x5c: {  	_ =	shalt  }
0x5d: {  	_ =	shalt  }
0x5e: {  	_ =	shalt  }
0x5f: {  	_ =	shalt  }
0x60: {  	_ =	shalt  }
0x61: {  	_ =	shalt  }
0x62: {  	_ =	shalt  }
0x63: {  	_ =	shalt  }
0x64: {  	_ =	shalt  }
0x65: {  	_ =	shalt  }
0x66: {  	_ =	shalt  }
0x67: {  	_ =	shalt  }
0x68: {  	_ =	shalt  }
0x69: {  	_ =	shalt  }
0x6a: {  	_ =	shalt  }
0x6b: {  	_ =	shalt  }
0x6c: {  	_ =	shalt  }
0x6d: {  	_ =	shalt  }
0x6e: {  	_ =	shalt  }
0x6f: {  	_ =	shalt  }
0x70: {  	_ =	shalt  }
0x71: {  	_ =	shalt  }
0x72: {  	_ =	shalt  }
0x73: {  	_ =	shalt  }
0x74: {  	_ =	shalt  }
0x75: {  	_ =	shalt  }
0x76: {  	_ =	shalt  }
0x77: {  	_ =	shalt  }
0x78: {  	_ =	shalt  }
0x79: {  	_ =	shalt  }
0x7a: {  	_ =	shalt  }
0x7b: {  	_ =	shalt  }
0x7c: {  	_ =	shalt  }
0x7d: {  	_ =	shalt  }
0x7e: {  	_ =	shalt  }
0x7f: {  	_ =	shalt  }
0x80: {  	_ =	shalt  }
0x81: {  	_ =	shalt  }
0x82: {  	_ =	shalt  }
0x83: {  	_ =	shalt  }
0x84: {  	_ =	shalt  }
0x85: {  	_ =	shalt  }
0x86: {  	_ =	shalt  }
0x87: {  	_ =	shalt  }
.Lfunc_end0:
.L_simem_size_0:
called_computation.1_lowered:
.L_overlay_start_0:
0x88: {  	s2 =	sld [smem:$0x3FD9]  }
0x89: {  	s3 =	sld [smem:$0x3FFE];
	_ =	sdelay $0x1  }
0x8a: {  	s1 =	srdreg.scid  }
0x8b: {  	s0 =	sand.u32 $0x1, s1  }
0x8c: {  	s16 =	sshll.u32 s0, $0xA;
	s2 =	sadd.s32 s3, s2  }
0x8d: {  	s2 =	sadd.s32 s2, s16  }
0x8e: {  	[smem:$0x3FC5] =	sst s2  }
0x8f: {  	_ = 	snop  }
0x90: {  	(tm) =	ssettm $0x1  }
0x91: {  	s17 =	sld [smem:$0x3FFB];
	_ =	sdelay $0x3  }
0x92: {  	_ =	strace s17  }
0x93: {  	s2 =	sld [smem:$0x3FFC];
	_ =	sdelay $0x3  }
0x94: {  	_ =	strace s2  }
0x95: {  	s2 =	sld [smem:$0x3FFD];
	_ =	sdelay $0x3  }
0x96: {  	_ =	strace s2  }
0x97: {  	_ =	strace $0x8FFFFFFF  }
0x98: {  	s18 =	sld [smem:$0x3FDB];
	_ =	sdelay $0x1  }
0x99: {  	s19 =	simm.s32 $_scs_section_size  }
0x9a: {  	s4 =	simm.s32 $_size__tile_overlayer_lowered;
	s5 =	simm.s32 $_tile_overlayer_lowered  }
0x9b: {  	s22 =	simm.s32 $0x1BFF;
	s21 =	sshll.u32 s5, $0x1;
	s2 =	sadd.s32 s19, s18  }
0x9c: {  	s6 =	simm.s32 $0x0;
	s20 =	sshll.u32 s4, $0x1;
	s4 =	sadd.s32 s21, s2  }
0x9d: {  	[timem:s6], [sflag:s22] =	dma.local [hbm:s4], s20  }
0x9e: {  	_ =	swait.ge [sflag:s22], s20  }
0x9f: {  	s3 =	ssub.s32 $0x0, s20;
	[sflag:s22] =	ssyncset.done $0x0  }
0xa0: {  	[sflag:s22] =	ssyncadd.s32 s3;
	_ =	sdelay $0x1  }
0xa1: {  	s23 =	simm.s32 $0x1B8B  }
0xa2: {  	_ =	swait.ge [sflag:s23], $0x1  }
0xa3: {  	[sflag:s23] =	ssyncset.done $0x0  }
0xa4: {  	s25 =	simm.s32 $0x1B8E;
	s24 =	sld [smem:$0x3FFE];
	[sflag:s23] =	ssyncadd.s32 $0xFFFFFFFF  }
0xa5: {  	s26 =	simm.s32 $execute0_lowered;
	[smem:$0x3FD2] =	sst s25  }
0xa6: {  	s4 =	sshll.u32 s26, $0x1;
	_ =	strace $0x80000046;
	[dreg:$0x1] =	wrdreg $0xFFFFFFFF  }
0xa7: {  	s28 =	simm.s32 $_size_execute0_lowered;
	s2 =	sadd.s32 s2, s4;
	[dreg:$0x0] =	wrdreg $0x0  }
0xa8: {  	s4 =	sshll.u32 s28, $0x1;
	[dreg:$0x2] =	wrdreg s2  }
0xa9: {  	[dreg:$0x3] =	wrdreg s4  }
0xaa: {  	[dreg:$0x4] =	wrdreg $0xC0  }
0xab: {  	_ =	task [dreg:s6], $0x5FFFF  }
0xac: {  	[dreg:$0x1] =	wrdreg $0xFFFFFFFF  }
0xad: {  	[dreg:$0x0] =	wrdreg $0x60  }
0xae: {  	[dreg:$0x2] =	wrdreg s24  }
0xaf: {  	[dreg:$0x3] =	wrdreg $0x9  }
0xb0: {  	_ =	task.clear_ibuf [dreg:s6], $0x4FFFF;
	_ =	strace $0x90000046  }
0xb1: {  	s29 =	simm.s32 $0x9;
	_ =	strace $0x80000048  }
0xb2: {  	_ =	swait.ge [sflag:s29], $0x1  }
0xb3: {  	[sflag:s29] =	ssyncadd.s32 $0xFFFFFFFF  }
0xb4: {  	_ =	strace $0x90000048  }
0xb5: {  	_ =	sfence  }
0xb6: {  	s30 =	sld [smem:$0x0];
	_ =	sdelay $0x2  }
0xb7: {  	s31 =	sshll.u32 s1, $0xD;
	s1 =	sshrl.u32 s1, $0x2  }
0xb8: {  	s3 =	sand.u32 $0x4000, s31;
	s1 =	sadd.s32 s1, s30  }
0xb9: {  	s0 =	sor.u32 s3, s0;
	s1 =	sshll.u32 s1, $0x11  }
0xba: {  	s0 =	sor.u32 s1, s0  }
0xbb: {  	s0 =	sadd.s32 $0x8F2B, s0  }
0xbc: {  	[sflag:s0] =	ssyncadd.remote.s32 $0x1  }
0xbd: {  	_ =	sfence.sel $0xFFFF  }
0xbe: {  	[dreg:$0x0] =	wrdreg $0xFFFFFFFF;
	(pc) =	sbr.abs _section_cstart, $3  }
0xbf: {  	[dreg:$0x1] =	wrdreg $0xFFFFFFFF  }
0xc0: {  	_ =	task.clear_ibuf [dreg:s6], $0x2FFFF;
	_ =	strace $0x9FFFFFFF  }
0xc1: {  	(tm) =	ssettm $0x7FFFFFFF  }
tec
execute0_lowered:
.L_overlay_start_1:
0x0: {  	(tag) =	ssettag $0x1  }
0x1: {  	s1 =	srdreg.scid;
	s0 =	stileid.u32  }
0x2: {  	s5 =	sand.u32 $0x1, s1;
	s31 =	sshll.u32 s0, $0x1  }
0x3: {  	s1 =	sor.u32 s5, s31  }
0x4: {  	s3 =	smul.u32 $0x517, s1;
	_ =	sdelay $0x1  }
0x5: {  	s4 =	sadd.s32 $0x517, s3  }
0x6: {  	s3 =	sshrl.u32 s3, $0x5;
	s4 =	sshrl.u32 s4, $0x5  }
0x7: {  	p0 =	sge.u32 s3, s4  }
.Ltmp0:
0x8: {  	_ = 	snop;
	(pc) =	sbr.rel @p0 .LBB2_9-.Ltmp0, $4  }
0x9: {  	_ = 	snop  }
0xa: {  	s6 =	rddreg [dreg:$0x0];
	s2 =	simm.s32 $0x0  }
0xb: {  	[smem:$0x7FF] =	sst s2  }
0xc: {  	s1 =	rddreg [dreg:$0x1];
	_ =	strace $0x80000047  }
0xd: {  	v0 =	vlaneseq.u32  }
0xe: {  	v14 =	vmul.u32 $0x48, v0;
	_ =	sdelay $0x1  }
0xf: {  	v0 =	vor.u32 $0x5, v14  }
0x10: {  	v56 =	vor.u32 $0x6, v14;
	[tilespmem:$0x1FC80] =	vst v0  }
0x11: {  	v57 =	vor.u32 $0x7, v14;
	[tilespmem:$0x1FC90] =	vst v56  }
0x12: {  	v58 =	vadd.s32 $0x8, v14;
	[tilespmem:$0x1FCA0] =	vst v57  }
0x13: {  	v59 =	vadd.s32 $0x9, v14;
	[tilespmem:$0x1FCB0] =	vst v58  }
0x14: {  	v60 =	vadd.s32 $0xA, v14;
	[tilespmem:$0x1FCC0] =	vst v59  }
0x15: {  	v61 =	vadd.s32 $0xB, v14;
	[tilespmem:$0x1FCD0] =	vst v60  }
0x16: {  	v62 =	vadd.s32 $0xC, v14;
	[tilespmem:$0x1FCE0] =	vst v61  }
0x17: {  	v63 =	vadd.s32 $0xD, v14;
	[tilespmem:$0x1FCF0] =	vst v62  }
0x18: {  	v4 =	vadd.s32 $0xE, v14;
	[tilespmem:$0x1FD00] =	vst v63  }
0x19: {  	v5 =	vadd.s32 $0xF, v14;
	[tilespmem:$0x1FD10] =	vst v4  }
0x1a: {  	v6 =	vadd.s32 $0x10, v14;
	[tilespmem:$0x1FD20] =	vst v5  }
0x1b: {  	v7 =	vadd.s32 $0x11, v14;
	[tilespmem:$0x1FD30] =	vst v6  }
0x1c: {  	v8 =	vadd.s32 $0x12, v14;
	[tilespmem:$0x1FD40] =	vst v7  }
0x1d: {  	v9 =	vadd.s32 $0x13, v14;
	[tilespmem:$0x1FD50] =	vst v8  }
0x1e: {  	v10 =	vadd.s32 $0x14, v14;
	[tilespmem:$0x1FD60] =	vst v9  }
0x1f: {  	v11 =	vadd.s32 $0x15, v14;
	[tilespmem:$0x1FD70] =	vst v10  }
0x20: {  	v21 =	vadd.s32 $0x16, v14;
	[tilespmem:$0x1FD80] =	vst v11  }
0x21: {  	v22 =	vadd.s32 $0x17, v14;
	[tilespmem:$0x1FD90] =	vst v21  }
0x22: {  	v23 =	vadd.s32 $0x18, v14;
	[tilespmem:$0x1FDA0] =	vst v22  }
0x23: {  	v24 =	vadd.s32 $0x19, v14;
	[tilespmem:$0x1FDB0] =	vst v23  }
0x24: {  	v25 =	vadd.s32 $0x1A, v14;
	[tilespmem:$0x1FDC0] =	vst v24  }
0x25: {  	v26 =	vadd.s32 $0x1B, v14;
	[tilespmem:$0x1FDD0] =	vst v25  }
0x26: {  	v27 =	vadd.s32 $0x1C, v14;
	[tilespmem:$0x1FDE0] =	vst v26  }
0x27: {  	v32 =	vadd.s32 $0x1D, v14;
	[tilespmem:$0x1FDF0] =	vst v27  }
0x28: {  	v33 =	vadd.s32 $0x1E, v14;
	[tilespmem:$0x1FE00] =	vst v32  }
0x29: {  	v34 =	vadd.s32 $0x1F, v14;
	[tilespmem:$0x1FE10] =	vst v33  }
0x2a: {  	v35 =	vadd.s32 $0x20, v14;
	[tilespmem:$0x1FE20] =	vst v34  }
0x2b: {  	v36 =	vadd.s32 $0x21, v14;
	[tilespmem:$0x1FE30] =	vst v35  }
0x2c: {  	v37 =	vadd.s32 $0x22, v14;
	[tilespmem:$0x1FE40] =	vst v36  }
0x2d: {  	v38 =	vadd.s32 $0x23, v14;
	[tilespmem:$0x1FE50] =	vst v37  }
0x2e: {  	v39 =	vadd.s32 $0x24, v14;
	[tilespmem:$0x1FE60] =	vst v38  }
0x2f: {  	v40 =	vadd.s32 $0x25, v14;
	[tilespmem:$0x1FE70] =	vst v39  }
0x30: {  	v41 =	vadd.s32 $0x26, v14;
	[tilespmem:$0x1FE80] =	vst v40  }
0x31: {  	v42 =	vadd.s32 $0x27, v14;
	[tilespmem:$0x1FE90] =	vst v41  }
0x32: {  	v43 =	vadd.s32 $0x28, v14;
	[tilespmem:$0x1FEA0] =	vst v42  }
0x33: {  	v44 =	vadd.s32 $0x29, v14;
	[tilespmem:$0x1FEB0] =	vst v43  }
0x34: {  	v45 =	vadd.s32 $0x2A, v14;
	[tilespmem:$0x1FEC0] =	vst v44  }
0x35: {  	v46 =	vadd.s32 $0x2B, v14;
	[tilespmem:$0x1FED0] =	vst v45  }
0x36: {  	v47 =	vadd.s32 $0x2C, v14;
	[tilespmem:$0x1FEE0] =	vst v46  }
0x37: {  	v48 =	vadd.s32 $0x2D, v14;
	[tilespmem:$0x1FEF0] =	vst v47  }
0x38: {  	v49 =	vadd.s32 $0x2E, v14;
	[tilespmem:$0x1FF00] =	vst v48  }
0x39: {  	v50 =	vadd.s32 $0x2F, v14;
	[tilespmem:$0x1FF10] =	vst v49  }
0x3a: {  	v51 =	vadd.s32 $0x30, v14;
	[tilespmem:$0x1FF20] =	vst v50  }
0x3b: {  	v52 =	vadd.s32 $0x31, v14;
	[tilespmem:$0x1FF30] =	vst v51  }
0x3c: {  	v53 =	vadd.s32 $0x32, v14;
	[tilespmem:$0x1FF40] =	vst v52  }
0x3d: {  	v54 =	vadd.s32 $0x33, v14;
	[tilespmem:$0x1FF50] =	vst v53  }
0x3e: {  	v55 =	vadd.s32 $0x34, v14;
	[tilespmem:$0x1FF60] =	vst v54  }
0x3f: {  	[tilespmem:$0x1FF70] =	vst v55;
	v56 =	vadd.s32 $0x35, v14  }
0x40: {  	v57 =	vadd.s32 $0x36, v14;
	[tilespmem:$0x1FF80] =	vst v56  }
0x41: {  	v58 =	vadd.s32 $0x37, v14;
	[tilespmem:$0x1FF90] =	vst v57  }
0x42: {  	v59 =	vadd.s32 $0x38, v14;
	[tilespmem:$0x1FFA0] =	vst v58  }
0x43: {  	v60 =	vadd.s32 $0x39, v14;
	[tilespmem:$0x1FFB0] =	vst v59  }
0x44: {  	s7 =	ssub.s32 $0x2, s5;
	s5 =	sadd.s32 $0xE00, s6;
	v61 =	vadd.s32 $0x3A, v14;
	[tilespmem:$0x1FFC0] =	vst v60  }
0x45: {  	s6 =	sadd.s32 $0x7A2000, s6;
	s9 =	simm.s32 $0xF4240;
	s8 =	sshrl.u32 s7, $0x1;
	v15 =	vor.u32 $0x1, v14;
	v16 =	vor.u32 $0x2, v14;
	v62 =	vadd.s32 $0x3B, v14;
	[tilespmem:$0x1FFD0] =	vst v61  }
0x46: {  	s10 =	simm.s32 $0x1;
	s11 =	simm.s32 $0xC000;
	s7 =	ssub.s32 s7, s8;
	v17 =	vor.u32 $0x3, v14;
	v18 =	vor.u32 $0x4, v14;
	v63 =	vadd.s32 $0x3C, v14;
	[tilespmem:$0x1FFE0] =	vst v62  }
0x47: {  	s12 =	simm.s32 $0x0;
	s8 =	simm.s32 $0x300;
	s7 =	smax.u32 s7, $0x1;
	v30 =	vadd.s32 $0x3D, v14;
	v31 =	vadd.s32 $0x3E, v14;
	v32 =	vadd.s32 $0x3F, v14;
	[tilespmem:$0x1FFF0] =	vst v63  }
.LBB2_2:
0x48: {  	s13 =	smov.u32 s3  }
.LBB2_3:
0x49: {  	s14 =	smul.u32 $0x300, s13;
	_ =	sdelay $0x1  }
0x4a: {  	s14 =	smin.u32 s14, $0xF3F40  }
0x4b: {  	s15 =	sshrl.u32 s14, $0x3  }
0x4c: {  	s16 =	sadd.s32 s5, s15;
	s15 =	simm.s32 $0x0  }
0x4d: {  	[tilespmem:s15], [sflag:$0x1] =	stream.strided.gather [hbm4b:s16+s8], $0xC000, s9, s8, $0x38;
	[tilespmem:$0x19800] =	vst v63  }
0x4e: {  	_ =	swait.ge [sflag:s10], $0xC000  }
0x4f: {  	v33 =	vld [tilespmem:$0x1FD60]  }
0x50: {  	v34 =	vld [tilespmem:$0x1FD70]  }
0x51: {  	v35 =	vld [tilespmem:$0x1FD80]  }
0x52: {  	v36 =	vld [tilespmem:$0x1FD90]  }
0x53: {  	v37 =	vld [tilespmem:$0x1FDA0]  }
0x54: {  	v38 =	vld [tilespmem:$0x1FDB0]  }
0x55: {  	v39 =	vld [tilespmem:$0x1FDC0]  }
0x56: {  	v40 =	vld [tilespmem:$0x1FDD0]  }
0x57: {  	v41 =	vld [tilespmem:$0x1FDE0]  }
0x58: {  	v42 =	vld [tilespmem:$0x1FDF0]  }
0x59: {  	v43 =	vld [tilespmem:$0x1FE00]  }
0x5a: {  	v44 =	vld [tilespmem:$0x1FE10]  }
0x5b: {  	v45 =	vld [tilespmem:$0x1FE20]  }
0x5c: {  	v46 =	vld [tilespmem:$0x1FE30]  }
0x5d: {  	v47 =	vld [tilespmem:$0x1FE40]  }
0x5e: {  	v48 =	vld [tilespmem:$0x1FE50]  }
0x5f: {  	v49 =	vld [tilespmem:$0x1FE60]  }
0x60: {  	v50 =	vld [tilespmem:$0x1FE70]  }
0x61: {  	v51 =	vld [tilespmem:$0x1FE80]  }
0x62: {  	v52 =	vld [tilespmem:$0x1FE90]  }
0x63: {  	v53 =	vld [tilespmem:$0x1FEA0]  }
0x64: {  	v54 =	vld [tilespmem:$0x1FEB0]  }
0x65: {  	v55 =	vld [tilespmem:$0x1FEC0]  }
0x66: {  	v56 =	vld [tilespmem:$0x1FED0]  }
0x67: {  	v57 =	vld [tilespmem:$0x1FEE0]  }
0x68: {  	v58 =	vld [tilespmem:$0x1FEF0]  }
0x69: {  	v59 =	vld [tilespmem:$0x1FF00]  }
0x6a: {  	v60 =	vld [tilespmem:$0x1FF10]  }
0x6b: {  	v61 =	vld [tilespmem:$0x1FF20]  }
0x6c: {  	v62 =	vld [tilespmem:$0x1FF30]  }
0x6d: {  	v63 =	vld [tilespmem:$0x1FF40]  }
0x6e: {  	v19 =	vld [tilespmem:$0x1FF50]  }
0x6f: {  	v20 =	vld [tilespmem:$0x1FF60]  }
0x70: {  	v21 =	vld [tilespmem:$0x1FF70]  }
0x71: {  	v22 =	vld [tilespmem:$0x1FF80]  }
0x72: {  	v23 =	vld [tilespmem:$0x1FF90]  }
0x73: {  	v24 =	vld [tilespmem:$0x1FFA0]  }
0x74: {  	v25 =	vld [tilespmem:$0x1FFB0]  }
0x75: {  	v26 =	vld [tilespmem:$0x1FFC0]  }
0x76: {  	v27 =	vld [tilespmem:$0x1FFD0]  }
0x77: {  	[sflag:s10] =	ssyncset.done $0x0;
	v28 =	vld [tilespmem:$0x1FFE0]  }
0x78: {  	s16 =	simm.s32 $0x0;
	v29 =	vld [tilespmem:$0x1FFF0];
	[sflag:s10] =	ssyncadd.s32 $0xFFFF4000  }
.LBB2_4:
0x79: {  	v0 =	vmov s15  }
0x7a: {  	s17 =	sshra.s32 s16, $0x2;
	v0 =	vmul.u32 $0x48, v0  }
0x7b: {  	v1 =	vld [tilespmem:s17+$0x0]  }
0x7c: {  	v2 =	vld [tilespmem:s17+$0x300];
	v0 =	vbroadcast v0, $0x0  }
0x7d: {  	v3 =	vld [tilespmem:s17+$0x600]  }
0x7e: {  	v4 =	vld [tilespmem:s17+$0x900];
	v5 =	vadd.s32 v14, v0  }
0x7f: {  	v6 =	vld [tilespmem:s17+$0xC00];
	v7 =	vadd.s32 v15, v0  }
0x80: {  	v8 =	vld [tilespmem:s17+$0xF00];
	v9 =	vadd.s32 v16, v0  }
0x81: {  	v10 =	vld [tilespmem:s17+$0x1200]  }
0x82: {  	v12 =	vld [tilespmem:s17+$0x1500]  }
0x83: {  	[tilespmem:v5+s11+$0x0] =	vst.idx.msk $0xffff, v1;
	v5 =	vld [tilespmem:$0x1FC80]  }
0x84: {  	[tilespmem:v7+s11+$0x0] =	vst.idx.msk $0xffff, v2;
	v7 =	vld [tilespmem:$0x1FC90]  }
0x85: {  	v11 =	vadd.s32 v17, v0;
	[tilespmem:v9+s11+$0x0] =	vst.idx.msk $0xffff, v3;
	v9 =	vld [tilespmem:$0x1FCA0];
	_ =	sdelay $0x1  }
0x86: {  	v13 =	vadd.s32 v18, v0  }
0x87: {  	v1 =	vadd.s32 v5, v0  }
0x88: {  	v2 =	vadd.s32 v7, v0  }
0x89: {  	[tilespmem:v11+s11+$0x0] =	vst.idx.msk $0xffff, v4;
	v11 =	vld [tilespmem:$0x1FCC0];
	v3 =	vadd.s32 v9, v0;
	_ =	sdelay $0x1  }
0x8a: {  	[tilespmem:v13+s11+$0x0] =	vst.idx.msk $0xffff, v6;
	v13 =	vld [tilespmem:$0x1FCF0]  }
0x8b: {  	v9 =	vld [tilespmem:$0x1FCD0];
	[tilespmem:v1+s11+$0x0] =	vst.idx.msk $0xffff, v8  }
0x8c: {  	[tilespmem:v2+s11+$0x0] =	vst.idx.msk $0xffff, v10;
	v10 =	vld [tilespmem:$0x1FCB0]  }
0x8d: {  	v7 =	vadd.s32 v11, v0;
	v11 =	vld [tilespmem:$0x1FCE0];
	[tilespmem:v3+s11+$0x0] =	vst.idx.msk $0xffff, v12  }
0x8e: {  	v1 =	vld [tilespmem:s17+$0x1800]  }
0x8f: {  	v2 =	vld [tilespmem:s17+$0x1B00]  }
0x90: {  	v3 =	vld [tilespmem:s17+$0x1E00]  }
0x91: {  	v4 =	vld [tilespmem:s17+$0x2100];
	v5 =	vadd.s32 v10, v0  }
0x92: {  	v6 =	vld [tilespmem:s17+$0x2400]  }
0x93: {  	v8 =	vld [tilespmem:s17+$0x2700]  }
0x94: {  	v9 =	vadd.s32 v9, v0;
	v12 =	vld [tilespmem:s17+$0x2D00]  }
0x95: {  	v10 =	vld [tilespmem:s17+$0x2A00]  }
0x96: {  	[tilespmem:v5+s11+$0x0] =	vst.idx.msk $0xffff, v1;
	v5 =	vld [tilespmem:$0x1FD00]  }
0x97: {  	[tilespmem:v7+s11+$0x0] =	vst.idx.msk $0xffff, v2;
	v7 =	vld [tilespmem:$0x1FD10];
	_ =	sdelay $0x1  }
0x98: {  	v11 =	vadd.s32 v11, v0;
	[tilespmem:v9+s11+$0x0] =	vst.idx.msk $0xffff, v3;
	v9 =	vld [tilespmem:$0x1FD20]  }
0x99: {  	v13 =	vadd.s32 v13, v0  }
0x9a: {  	v1 =	vadd.s32 v5, v0  }
0x9b: {  	v2 =	vadd.s32 v7, v0;
	_ =	sdelay $0x1  }
0x9c: {  	[tilespmem:v11+s11+$0x0] =	vst.idx.msk $0xffff, v4;
	v3 =	vadd.s32 v9, v0  }
0x9d: {  	[tilespmem:v13+s11+$0x0] =	vst.idx.msk $0xffff, v6  }
0x9e: {  	[tilespmem:v1+s11+$0x0] =	vst.idx.msk $0xffff, v8  }
0x9f: {  	[tilespmem:v2+s11+$0x0] =	vst.idx.msk $0xffff, v10;
	v10 =	vld [tilespmem:$0x1FD30]  }
0xa0: {  	v11 =	vld [tilespmem:$0x1FD40]  }
0xa1: {  	v9 =	vld [tilespmem:$0x1FD50];
	[tilespmem:v3+s11+$0x0] =	vst.idx.msk $0xffff, v12  }
0xa2: {  	v1 =	vld [tilespmem:s17+$0x3000]  }
0xa3: {  	v2 =	vld [tilespmem:s17+$0x3300]  }
0xa4: {  	v3 =	vld [tilespmem:s17+$0x3600];
	v5 =	vadd.s32 v10, v0  }
0xa5: {  	v7 =	vadd.s32 v11, v0;
	v4 =	vld [tilespmem:s17+$0x3900]  }
0xa6: {  	v9 =	vadd.s32 v9, v0;
	v6 =	vld [tilespmem:s17+$0x3C00]  }
0xa7: {  	v11 =	vadd.s32 v33, v0;
	v8 =	vld [tilespmem:s17+$0x3F00]  }
0xa8: {  	v13 =	vadd.s32 v34, v0;
	v12 =	vld [tilespmem:s17+$0x4500]  }
0xa9: {  	v10 =	vld [tilespmem:s17+$0x4200];
	[tilespmem:v5+s11+$0x0] =	vst.idx.msk $0xffff, v1;
	v1 =	vadd.s32 v35, v0  }
0xaa: {  	[tilespmem:v7+s11+$0x0] =	vst.idx.msk $0xffff, v2;
	v7 =	vadd.s32 v36, v0  }
0xab: {  	[tilespmem:v9+s11+$0x0] =	vst.idx.msk $0xffff, v3;
	v9 =	vadd.s32 v37, v0  }
0xac: {  	[tilespmem:v11+s11+$0x0] =	vst.idx.msk $0xffff, v4  }
0xad: {  	[tilespmem:v13+s11+$0x0] =	vst.idx.msk $0xffff, v6  }
0xae: {  	[tilespmem:v1+s11+$0x0] =	vst.idx.msk $0xffff, v8  }
0xaf: {  	[tilespmem:v7+s11+$0x0] =	vst.idx.msk $0xffff, v10  }
0xb0: {  	[tilespmem:v9+s11+$0x0] =	vst.idx.msk $0xffff, v12  }
0xb1: {  	v1 =	vld [tilespmem:s17+$0x4800]  }
0xb2: {  	v2 =	vld [tilespmem:s17+$0x4B00]  }
0xb3: {  	v5 =	vadd.s32 v38, v0;
	v3 =	vld [tilespmem:s17+$0x4E00]  }
0xb4: {  	v7 =	vadd.s32 v39, v0;
	v4 =	vld [tilespmem:s17+$0x5100]  }
0xb5: {  	v9 =	vadd.s32 v40, v0;
	v6 =	vld [tilespmem:s17+$0x5400]  }
0xb6: {  	v11 =	vadd.s32 v41, v0;
	v8 =	vld [tilespmem:s17+$0x5700]  }
0xb7: {  	v13 =	vadd.s32 v42, v0;
	v10 =	vld [tilespmem:s17+$0x5A00]  }
0xb8: {  	v12 =	vld [tilespmem:s17+$0x5D00];
	[tilespmem:v5+s11+$0x0] =	vst.idx.msk $0xffff, v1;
	v1 =	vadd.s32 v43, v0  }
0xb9: {  	[tilespmem:v7+s11+$0x0] =	vst.idx.msk $0xffff, v2;
	v7 =	vadd.s32 v44, v0  }
0xba: {  	[tilespmem:v9+s11+$0x0] =	vst.idx.msk $0xffff, v3;
	v9 =	vadd.s32 v45, v0  }
0xbb: {  	[tilespmem:v11+s11+$0x0] =	vst.idx.msk $0xffff, v4  }
0xbc: {  	[tilespmem:v13+s11+$0x0] =	vst.idx.msk $0xffff, v6  }
0xbd: {  	[tilespmem:v1+s11+$0x0] =	vst.idx.msk $0xffff, v8  }
0xbe: {  	[tilespmem:v7+s11+$0x0] =	vst.idx.msk $0xffff, v10  }
0xbf: {  	[tilespmem:v9+s11+$0x0] =	vst.idx.msk $0xffff, v12  }
0xc0: {  	v1 =	vld [tilespmem:s17+$0x6000]  }
0xc1: {  	v2 =	vld [tilespmem:s17+$0x6300]  }
0xc2: {  	v5 =	vadd.s32 v46, v0;
	v3 =	vld [tilespmem:s17+$0x6600]  }
0xc3: {  	v7 =	vadd.s32 v47, v0;
	v4 =	vld [tilespmem:s17+$0x6900]  }
0xc4: {  	v9 =	vadd.s32 v48, v0;
	v6 =	vld [tilespmem:s17+$0x6C00]  }
0xc5: {  	v11 =	vadd.s32 v49, v0;
	v8 =	vld [tilespmem:s17+$0x6F00]  }
0xc6: {  	v13 =	vadd.s32 v50, v0;
	v10 =	vld [tilespmem:s17+$0x7200]  }
0xc7: {  	v12 =	vld [tilespmem:s17+$0x7500];
	[tilespmem:v5+s11+$0x0] =	vst.idx.msk $0xffff, v1;
	v1 =	vadd.s32 v51, v0  }
0xc8: {  	[tilespmem:v7+s11+$0x0] =	vst.idx.msk $0xffff, v2;
	v7 =	vadd.s32 v52, v0  }
0xc9: {  	[tilespmem:v9+s11+$0x0] =	vst.idx.msk $0xffff, v3;
	v9 =	vadd.s32 v53, v0  }
0xca: {  	[tilespmem:v11+s11+$0x0] =	vst.idx.msk $0xffff, v4  }
0xcb: {  	[tilespmem:v13+s11+$0x0] =	vst.idx.msk $0xffff, v6  }
0xcc: {  	[tilespmem:v1+s11+$0x0] =	vst.idx.msk $0xffff, v8  }
0xcd: {  	[tilespmem:v7+s11+$0x0] =	vst.idx.msk $0xffff, v10  }
0xce: {  	[tilespmem:v9+s11+$0x0] =	vst.idx.msk $0xffff, v12  }
0xcf: {  	v1 =	vld [tilespmem:s17+$0x7800]  }
0xd0: {  	v2 =	vld [tilespmem:s17+$0x7B00]  }
0xd1: {  	v5 =	vadd.s32 v54, v0;
	v3 =	vld [tilespmem:s17+$0x7E00]  }
0xd2: {  	v7 =	vadd.s32 v55, v0;
	v4 =	vld [tilespmem:s17+$0x8100]  }
0xd3: {  	v9 =	vadd.s32 v56, v0;
	v6 =	vld [tilespmem:s17+$0x8400]  }
0xd4: {  	v11 =	vadd.s32 v57, v0;
	v8 =	vld [tilespmem:s17+$0x8700]  }
0xd5: {  	v13 =	vadd.s32 v58, v0;
	v10 =	vld [tilespmem:s17+$0x8A00]  }
0xd6: {  	v12 =	vld [tilespmem:s17+$0x8D00];
	[tilespmem:v5+s11+$0x0] =	vst.idx.msk $0xffff, v1;
	v1 =	vadd.s32 v59, v0  }
0xd7: {  	[tilespmem:v7+s11+$0x0] =	vst.idx.msk $0xffff, v2;
	v7 =	vadd.s32 v60, v0  }
0xd8: {  	[tilespmem:v9+s11+$0x0] =	vst.idx.msk $0xffff, v3;
	v9 =	vadd.s32 v61, v0  }
0xd9: {  	[tilespmem:v11+s11+$0x0] =	vst.idx.msk $0xffff, v4  }
0xda: {  	[tilespmem:v13+s11+$0x0] =	vst.idx.msk $0xffff, v6  }
0xdb: {  	[tilespmem:v1+s11+$0x0] =	vst.idx.msk $0xffff, v8  }
0xdc: {  	[tilespmem:v7+s11+$0x0] =	vst.idx.msk $0xffff, v10  }
0xdd: {  	[tilespmem:v9+s11+$0x0] =	vst.idx.msk $0xffff, v12  }
0xde: {  	v1 =	vld [tilespmem:s17+$0x9000]  }
0xdf: {  	v2 =	vld [tilespmem:s17+$0x9300]  }
0xe0: {  	v5 =	vadd.s32 v62, v0;
	v3 =	vld [tilespmem:s17+$0x9600]  }
0xe1: {  	v7 =	vadd.s32 v63, v0;
	v4 =	vld [tilespmem:s17+$0x9900]  }
0xe2: {  	v9 =	vadd.s32 v19, v0;
	v6 =	vld [tilespmem:s17+$0x9C00]  }
0xe3: {  	v11 =	vadd.s32 v20, v0;
	v8 =	vld [tilespmem:s17+$0x9F00]  }
0xe4: {  	v13 =	vadd.s32 v21, v0;
	v10 =	vld [tilespmem:s17+$0xA200]  }
0xe5: {  	v12 =	vld [tilespmem:s17+$0xA500];
	[tilespmem:v5+s11+$0x0] =	vst.idx.msk $0xffff, v1;
	v1 =	vadd.s32 v22, v0  }
0xe6: {  	[tilespmem:v7+s11+$0x0] =	vst.idx.msk $0xffff, v2;
	v7 =	vadd.s32 v23, v0  }
0xe7: {  	[tilespmem:v9+s11+$0x0] =	vst.idx.msk $0xffff, v3;
	v9 =	vadd.s32 v24, v0  }
0xe8: {  	[tilespmem:v11+s11+$0x0] =	vst.idx.msk $0xffff, v4  }
0xe9: {  	[tilespmem:v13+s11+$0x0] =	vst.idx.msk $0xffff, v6  }
0xea: {  	[tilespmem:v1+s11+$0x0] =	vst.idx.msk $0xffff, v8  }
0xeb: {  	[tilespmem:v7+s11+$0x0] =	vst.idx.msk $0xffff, v10  }
0xec: {  	[tilespmem:v9+s11+$0x0] =	vst.idx.msk $0xffff, v12  }
0xed: {  	v1 =	vld [tilespmem:s17+$0xA800]  }
0xee: {  	v2 =	vld [tilespmem:s17+$0xAB00]  }
0xef: {  	v5 =	vadd.s32 v25, v0;
	v3 =	vld [tilespmem:s17+$0xAE00]  }
0xf0: {  	v7 =	vadd.s32 v26, v0;
	v4 =	vld [tilespmem:s17+$0xB100]  }
0xf1: {  	v9 =	vadd.s32 v27, v0;
	v6 =	vld [tilespmem:s17+$0xB400]  }
0xf2: {  	v11 =	vadd.s32 v28, v0;
	v8 =	vld [tilespmem:s17+$0xB700]  }
0xf3: {  	v13 =	vadd.s32 v29, v0;
	v10 =	vld [tilespmem:s17+$0xBA00]  }
0xf4: {  	v12 =	vld [tilespmem:s17+$0xBD00];
	[tilespmem:v5+s11+$0x0] =	vst.idx.msk $0xffff, v1;
	v5 =	vadd.s32 v30, v0  }
0xf5: {  	[tilespmem:v7+s11+$0x0] =	vst.idx.msk $0xffff, v2;
	v7 =	vadd.s32 v31, v0  }
0xf6: {  	p0 =	sne.s32 s16, $0xBC0;
	v0 =	vadd.s32 v32, v0;
	[tilespmem:v9+s11+$0x0] =	vst.idx.msk $0xffff, v3  }
.Ltmp1:
0xf7: {  	[tilespmem:v11+s11+$0x0] =	vst.idx.msk $0xffff, v4;
	(pc) =	sbr.rel @p0 .LBB2_4-.Ltmp1, $4  }
0xf8: {  	[tilespmem:v13+s11+$0x0] =	vst.idx.msk $0xffff, v6  }
0xf9: {  	[tilespmem:v5+s11+$0x0] =	vst.idx.msk $0xffff, v8  }
0xfa: {  	[tilespmem:v7+s11+$0x0] =	vst.idx.msk $0xffff, v10  }
0xfb: {  	s15 =	sadd.s32 $0x10, s15;
	s16 =	sadd.s32 $0x40, s16;
	[tilespmem:v0+s11+$0x0] =	vst.idx.msk $0xffff, v12  }
0xfc: {  	s14 =	sshll.u32 s14, $0x3  }
0xfd: {  	s15 =	simm.s32 $0xC000;
	s14 =	sadd.s32 s6, s14  }
0xfe: {  	s16 =	simm.s32 $0x8;
	s17 =	simm.s32 $0xC048;
	s18 =	sadd.s32 $0x0, s14  }
.LBB2_6:
0xff: {  	[hbm4b:s18+s2] =	stream.linear.scatter [tilespmem:s15], [sflag:$0x1], $0x40, $0x38;
	[tilespmem:$0x19800] =	vst v63  }
0x100: {  	s18 =	smov.u32 s16;
	s15 =	smov.u32 s17;
	p0 =	sne.s32 s16, $0x17F8  }
.Ltmp2:
0x101: {  	s16 =	sadd.s32 $0x8, s16;
	(pc) =	sbr.rel @p0 .LBB2_6-.Ltmp2, $2  }
0x102: {  	_ =	sdelay $0x2  }
0x103: {  	s17 =	sadd.s32 $0x48, s17;
	s18 =	sadd.s32 s18, s14  }
0x104: {  	s13 =	sadd.s32 $0x1, s13  }
0x105: {  	p0 =	sne.s32 s13, s4  }
.Ltmp3:
0x106: {  	_ = 	snop;
	(pc) =	sbr.rel @p0 .LBB2_3-.Ltmp3, $4  }
0x107: {  	[hbm4b:s18+s2] =	stream.linear.scatter [tilespmem:s15], [sflag:$0x1], $0x40, $0x38;
	[tilespmem:$0x19800] =	vst v63  }
0x108: {  	_ =	swait.ge [sflag:s10], $0xC000  }
0x109: {  	[sflag:s10] =	ssyncset.done $0x0  }
0x10a: {  	[sflag:s10] =	ssyncadd.s32 $0xFFFF4000  }
0x10b: {  	s12 =	sadd.s32 $0x1, s12  }
0x10c: {  	p0 =	sne.s32 s12, s7  }
.Ltmp4:
0x10d: {  	_ = 	snop;
	(pc) =	sbr.rel @p0 .LBB2_2-.Ltmp4, $1  }
0x10e: {  	_ =	sdelay $0x3  }
.LBB2_9:
0x10f: {  	_ =	sfence.sel $0x180000  }
0x110: {  	[bflag:$0x0] =	sbarrier.arrive $0xFFFF  }
0x111: {  	p0 =	sne.s32 s0, $0x0;
	_ =	strace $0x90000047  }
0x112: {  	s0 =	sadd.s32 @!p0 $0x100000, s1;
	[bflag:$0x2] =	sbarrier.arrive $0xFFFF  }
0x113: {  	[sflag:s0] =	ssyncadd.tile.s32 @!p0 $0x1;
	_ =	shalt  }
.Lfunc_end2:
_tile_overlayer_lowered:
.L_overlay_start_2:
0x114: {  	(tag) =	ssettag $0x2  }
0x115: {  	s0 =	rddreg [dreg:$0x0];
	s2 =	stileid.u32  }
0x116: {  	s1 =	rddreg [dreg:$0x1];
	p0 =	sne.s32 s2, $0x0  }
0x117: {  	s3 =	rddreg [dreg:$0x2];
	[bflag:$0x3] =	sbarrier.arrive $0xFFFF;
	s2 =	simm.s32 @!p0 $0x1C01  }
0x118: {  	[timem:s3], [sflag:s2] =	dma.local @!p0 [hbm:s0], s1  }
0x119: {  	s0 =	simm.s32 @!p0 $0x1  }
0x11a: {  	_ =	swait.ge @!p0 [sflag:s0], s1  }
0x11b: {  	s1 =	ssub.s32 @!p0 $0x0, s1;
	[sflag:s0] =	ssyncset.done @!p0 $0x0  }
0x11c: {  	[sflag:s0] =	ssyncadd.s32 @!p0 s1  }
0x11d: {  	[bflag:$0x3] =	sbarrier.arrive $0xFFFF  }
0x11e: {  	_ =	shalt  }

// kernel: kernel.7.cloned.1.call-start
scs
__scs_entry_jumppad:
0x0: {  	(pc) =	sbr.rel $0x88, $3  }
0x1: {  	(tag) =	ssettag $0x0;
	lr =	simm.s32 $0x1  }
0x2: {  	[smem:$0x3F9E] =	sst lr;
	_ =	strace $0xD0000000  }
0x3: {  	_ = 	snop  }
0x4: {  	_ = 	snop  }
0x5: {  	_ = 	snop  }
0x6: {  	_ = 	snop  }
0x7: {  	_ = 	snop  }
__scs_overlays_trampoline_lowered:
0x8: {  	[smem:$0x3FAD] =	sst s0  }
0x9: {  	[smem:$0x3FAE] =	sst s1  }
0xa: {  	[smem:$0x3FAF] =	sst s2  }
0xb: {  	[smem:$0x3FB0] =	sst s3  }
0xc: {  	[smem:$0x3FB1] =	sst s4  }
0xd: {  	[smem:$0x3FB2] =	sst s5  }
0xe: {  	[smem:$0x3FB3] =	sst s6  }
0xf: {  	[smem:$0x3FB4] =	sst s7  }
0x10: {  	[smem:$0x3FB5] =	sst s8  }
0x11: {  	[smem:$0x3FB6] =	sst s9;
	s0 =	simm.s32 @!p0 $0x0  }
0x12: {  	s1 =	sld [smem:$0x3F9C];
	s0 =	simm.s32 @p0 $0x1  }
0x13: {  	[smem:$0x3FB7] =	sst s0;
	s0 =	simm.s32 @!p1 $0x0  }
0x14: {  	s2 =	sld [smem:$0x3F9B];
	s0 =	simm.s32 @p1 $0x1  }
0x15: {  	[smem:$0x3FB8] =	sst s0;
	s0 =	simm.s32 @!p2 $0x0  }
0x16: {  	s3 =	sld [smem:$0x3FDB];
	s0 =	simm.s32 @p2 $0x1  }
0x17: {  	s4 =	simm.s32 $0x1BF5;
	[smem:$0x3FBA] =	sst s0  }
0x18: {  	s0 =	sld [smem:$0x3F9D];
	_ =	swait.ge [sflag:s4], $0x0  }
0x19: {  	s7 =	sld [smem:$0x3F9E]  }
0x1a: {  	s8 =	sadd.s32 $0xFFFFE003, lr  }
0x1b: {  	s9 =	sadd.s32 $0xFFFFFEF7, lr;
	s5 =	simm.s32 $0xFFFFFFFF;
	p2 =	slt.u32 s8, $0xFFFFF086  }
0x1c: {  	p1 =	slt.u32 s9, $0xF7A;
	s5 =	simm.s32 @!p2 $0x0  }
0x1d: {  	s5 =	simm.s32 @p1 $0x1;
	p0 =	seq.s32 s7, s2  }
0x1e: {  	s7 =	smul.u32 @!p0 $0xF7A, s2;
	p2 =	seq.s32 @!p0 s5, $0x0  }
0x1f: {  	s9 =	smul.u32 $0xF7A, s1;
	s8 =	simm.s32 @!p0 $0x1BF5;
	p2 =	por !p2, p0  }
0x20: {  	[sflag:s8] =	ssyncset.s32 @!p0 $0xFFFFF086;
	s6 =	sadd.s32 @!p0 s3, s7;
	s7 =	simm.s32 @!p0 $0x108  }
0x21: {  	s3 =	sadd.s32 s3, s9;
	s6 =	sadd.s32 @!p0 $0x88, s6;
	s7 =	simm.s32 @p2 $0x1082  }
0x22: {  	[simem:s7], [sflag:s8] =	dma.local @!p0 [hbm:s6], $0xF7A  }
0x23: {  	s9 =	sor.u32 $0xD0000000, s2;
	s6 =	simm.s32 $0x108;
	_ =	swait.ge @!p0 [sflag:s8], $0x0  }
0x24: {  	s3 =	sadd.s32 $0x88, s3;
	s6 =	simm.s32 @!p1 $0x1082;
	[sflag:s4] =	ssyncset.s32 $0xFFFFF086  }
0x25: {  	[simem:s6], [sflag:s4] =	dma.local [hbm:s3], $0xF7A  }
0x26: {  	[smem:$0x3F9E] =	sst s1;
	(tag) =	ssettag s2;
	_ =	strace s9  }
0x27: {  	s1 =	sld [smem:$0x3FAE]  }
0x28: {  	s2 =	sld [smem:$0x3FAF]  }
0x29: {  	s4 =	sld [smem:$0x3FB1]  }
0x2a: {  	p0 =	seq.s32 s5, $0x0;
	s5 =	sld [smem:$0x3FB2]  }
0x2b: {  	s6 =	sld [smem:$0x3FB3]  }
0x2c: {  	s7 =	sld [smem:$0x3FB4]  }
0x2d: {  	s3 =	simm.s32 $0x108;
	s8 =	sld [smem:$0x3FB5]  }
0x2e: {  	s3 =	simm.s32 @!p0 $0x1082;
	s9 =	sld [smem:$0x3FB6]  }
0x2f: {  	lr =	sadd.s32 s0, s3;
	s0 =	sld [smem:$0x3FAD]  }
0x30: {  	s3 =	sld [smem:$0x3FB0]  }
0x31: {  	[smem:$0x3FB9] =	sst s10  }
0x32: {  	s10 =	sld [smem:$0x3FB7];
	_ =	sdelay $0x3  }
0x33: {  	p0 =	seq.s32 s10, $0x1;
	s10 =	sld [smem:$0x3FB9];
	_ =	sdelay $0x3  }
0x34: {  	[smem:$0x3FB9] =	sst s10  }
0x35: {  	s10 =	sld [smem:$0x3FB8];
	_ =	sdelay $0x3  }
0x36: {  	p1 =	seq.s32 s10, $0x1;
	s10 =	sld [smem:$0x3FB9];
	_ =	sdelay $0x3  }
0x37: {  	[smem:$0x3FB9] =	sst s10  }
0x38: {  	s10 =	sld [smem:$0x3FBA]  }
0x39: {  	_ = 	snop;
	(pc) =	sbr.ind lr, $3  }
0x3a: {  	_ = 	snop  }
0x3b: {  	_ = 	snop  }
0x3c: {  	p2 =	seq.s32 s10, $0x1;
	s10 =	sld [smem:$0x3FB9]  }
0x3d: {  	_ =	shalt  }
0x3e: {  	_ =	shalt  }
0x3f: {  	_ =	shalt  }
0x40: {  	_ =	shalt  }
0x41: {  	_ =	shalt  }
0x42: {  	_ =	shalt  }
0x43: {  	_ =	shalt  }
0x44: {  	_ =	shalt  }
0x45: {  	_ =	shalt  }
0x46: {  	_ =	shalt  }
0x47: {  	_ =	shalt  }
0x48: {  	_ =	shalt  }
0x49: {  	_ =	shalt  }
0x4a: {  	_ =	shalt  }
0x4b: {  	_ =	shalt  }
0x4c: {  	_ =	shalt  }
0x4d: {  	_ =	shalt  }
0x4e: {  	_ =	shalt  }
0x4f: {  	_ =	shalt  }
0x50: {  	_ =	shalt  }
0x51: {  	_ =	shalt  }
0x52: {  	_ =	shalt  }
0x53: {  	_ =	shalt  }
0x54: {  	_ =	shalt  }
0x55: {  	_ =	shalt  }
0x56: {  	_ =	shalt  }
0x57: {  	_ =	shalt  }
0x58: {  	_ =	shalt  }
0x59: {  	_ =	shalt  }
0x5a: {  	_ =	shalt  }
0x5b: {  	_ =	shalt  }
0x5c: {  	_ =	shalt  }
0x5d: {  	_ =	shalt  }
0x5e: {  	_ =	shalt  }
0x5f: {  	_ =	shalt  }
0x60: {  	_ =	shalt  }
0x61: {  	_ =	shalt  }
0x62: {  	_ =	shalt  }
0x63: {  	_ =	shalt  }
0x64: {  	_ =	shalt  }
0x65: {  	_ =	shalt  }
0x66: {  	_ =	shalt  }
0x67: {  	_ =	shalt  }
0x68: {  	_ =	shalt  }
0x69: {  	_ =	shalt  }
0x6a: {  	_ =	shalt  }
0x6b: {  	_ =	shalt  }
0x6c: {  	_ =	shalt  }
0x6d: {  	_ =	shalt  }
0x6e: {  	_ =	shalt  }
0x6f: {  	_ =	shalt  }
0x70: {  	_ =	shalt  }
0x71: {  	_ =	shalt  }
0x72: {  	_ =	shalt  }
0x73: {  	_ =	shalt  }
0x74: {  	_ =	shalt  }
0x75: {  	_ =	shalt  }
0x76: {  	_ =	shalt  }
0x77: {  	_ =	shalt  }
0x78: {  	_ =	shalt  }
0x79: {  	_ =	shalt  }
0x7a: {  	_ =	shalt  }
0x7b: {  	_ =	shalt  }
0x7c: {  	_ =	shalt  }
0x7d: {  	_ =	shalt  }
0x7e: {  	_ =	shalt  }
0x7f: {  	_ =	shalt  }
0x80: {  	_ =	shalt  }
0x81: {  	_ =	shalt  }
0x82: {  	_ =	shalt  }
0x83: {  	_ =	shalt  }
0x84: {  	_ =	shalt  }
0x85: {  	_ =	shalt  }
0x86: {  	_ =	shalt  }
0x87: {  	_ =	shalt  }
.Lfunc_end0:
.L_simem_size_0:
called_computation.2_lowered:
.L_overlay_start_0:
0x88: {  	s2 =	sld [smem:$0x3FD9]  }
0x89: {  	s3 =	sld [smem:$0x3FFE];
	_ =	sdelay $0x1  }
0x8a: {  	s1 =	srdreg.scid  }
0x8b: {  	s0 =	sand.u32 $0x1, s1  }
0x8c: {  	s17 =	sshll.u32 s0, $0xA;
	s2 =	sadd.s32 s3, s2  }
0x8d: {  	s2 =	sadd.s32 s2, s17  }
0x8e: {  	[smem:$0x3FC5] =	sst s2  }
0x8f: {  	_ = 	snop  }
0x90: {  	s2 =	sld [smem:$0x3FD0];
	(tm) =	ssettm $0x1  }
0x91: {  	s18 =	sld [smem:$0x3FFB];
	_ =	sdelay $0x3  }
0x92: {  	_ =	strace s18  }
0x93: {  	s3 =	sld [smem:$0x3FFC];
	_ =	sdelay $0x3  }
0x94: {  	_ =	strace s3  }
0x95: {  	s3 =	sld [smem:$0x3FFD];
	_ =	sdelay $0x3  }
0x96: {  	_ =	strace s3  }
0x97: {  	_ =	strace $0x8FFFFFFF  }
0x98: {  	s19 =	sld [smem:$0x3FDB];
	_ =	sdelay $0x1  }
0x99: {  	s4 =	simm.s32 $_scs_section_size  }
0x9a: {  	s5 =	simm.s32 $_size__tile_overlayer_lowered;
	s6 =	simm.s32 $_tile_overlayer_lowered  }
0x9b: {  	s22 =	simm.s32 $0x1BFF;
	s21 =	sshll.u32 s6, $0x1;
	s3 =	sadd.s32 s4, s19  }
0x9c: {  	s7 =	simm.s32 $0x0;
	s20 =	sshll.u32 s5, $0x1;
	s5 =	sadd.s32 s21, s3  }
0x9d: {  	[timem:s7], [sflag:s22] =	dma.local [hbm:s5], s20  }
0x9e: {  	_ =	swait.ge [sflag:s22], s20  }
0x9f: {  	s4 =	ssub.s32 $0x0, s20;
	[sflag:s22] =	ssyncset.done $0x0  }
0xa0: {  	[sflag:s22] =	ssyncadd.s32 s4;
	_ =	sdelay $0x1  }
0xa1: {  	s23 =	simm.s32 $0x1B8B  }
0xa2: {  	_ =	swait.ge [sflag:s23], $0x1  }
0xa3: {  	[sflag:s23] =	ssyncset.done $0x0  }
0xa4: {  	s25 =	simm.s32 $0x1B8E;
	s24 =	sld [smem:$0x3FFE];
	[sflag:s23] =	ssyncadd.s32 $0xFFFFFFFF  }
0xa5: {  	s26 =	simm.s32 $execute0_lowered;
	[smem:$0x3FD2] =	sst s25  }
0xa6: {  	s5 =	sshll.u32 s26, $0x1;
	_ =	strace $0x80000049;
	[dreg:$0x1] =	wrdreg $0xFFFFFFFF  }
0xa7: {  	s28 =	simm.s32 $_size_execute0_lowered;
	s3 =	sadd.s32 s3, s5;
	[dreg:$0x0] =	wrdreg $0x0  }
0xa8: {  	s5 =	sshll.u32 s28, $0x1;
	[dreg:$0x2] =	wrdreg s3  }
0xa9: {  	[dreg:$0x3] =	wrdreg s5  }
0xaa: {  	[dreg:$0x4] =	wrdreg $0xC0  }
0xab: {  	_ =	task [dreg:s7], $0x5FFFF  }
0xac: {  	[dreg:$0x1] =	wrdreg $0xFFFFFFFF  }
0xad: {  	[dreg:$0x0] =	wrdreg $0x60  }
0xae: {  	[dreg:$0x2] =	wrdreg s24  }
0xaf: {  	[dreg:$0x3] =	wrdreg s2  }
0xb0: {  	[dreg:$0x4] =	wrdreg $0x9  }
0xb1: {  	_ =	task.clear_ibuf [dreg:s7], $0x5FFFF;
	_ =	strace $0x90000049  }
0xb2: {  	s29 =	simm.s32 $0x9;
	_ =	strace $0x8000004B  }
0xb3: {  	_ =	swait.ge [sflag:s29], $0x1  }
0xb4: {  	[sflag:s29] =	ssyncadd.s32 $0xFFFFFFFF  }
0xb5: {  	_ =	strace $0x9000004B  }
0xb6: {  	_ =	sfence  }
0xb7: {  	s30 =	sld [smem:$0x0];
	_ =	sdelay $0x2  }
0xb8: {  	s31 =	sshll.u32 s1, $0xD;
	s1 =	sshrl.u32 s1, $0x2  }
0xb9: {  	s3 =	sand.u32 $0x4000, s31;
	s1 =	sadd.s32 s1, s30  }
0xba: {  	s0 =	sor.u32 s3, s0;
	s1 =	sshll.u32 s1, $0x11  }
0xbb: {  	s0 =	sor.u32 s1, s0  }
0xbc: {  	s0 =	sadd.s32 $0x8F2B, s0  }
0xbd: {  	[sflag:s0] =	ssyncadd.remote.s32 $0x1  }
0xbe: {  	_ =	sfence.sel $0xFFFF  }
0xbf: {  	[dreg:$0x0] =	wrdreg $0xFFFFFFFF;
	(pc) =	sbr.abs _section_cstart, $3  }
0xc0: {  	[dreg:$0x1] =	wrdreg $0xFFFFFFFF  }
0xc1: {  	_ =	task.clear_ibuf [dreg:s7], $0x2FFFF;
	_ =	strace $0x9FFFFFFF  }
0xc2: {  	(tm) =	ssettm $0x7FFFFFFF  }
0xc3: {  	_ =	shalt  }
tec
execute0_lowered:
.L_overlay_start_1:
0x0: {  	(tag) =	ssettag $0x1  }
0x1: {  	s1 =	srdreg.scid  }
0x2: {  	s0 =	stileid.u32;
	s4 =	rddreg [dreg:$0x0]  }
0x3: {  	s6 =	rddreg [dreg:$0x1];
	s29 =	smul.u32 $0x3200, s0  }
0x4: {  	s12 =	simm.s32 $0xB8;
	s13 =	simm.s32 $0x58;
	s7 =	smul.u32 $0xC8000, s0  }
0x5: {  	s14 =	simm.s32 $0x18B8;
	s5 =	sand.u32 $0x1, s1;
	s30 =	smul.u32 $0x19000, s0  }
0x6: {  	s15 =	simm.s32 $0x1;
	s16 =	simm.s32 $0x1B8;
	s2 =	smul.u32 $0x1900, s5  }
0x7: {  	s17 =	simm.s32 $0x0;
	s9 =	smul.u32 $0x64000, s5;
	s10 =	ssub.s32 $0x2, s5  }
0x8: {  	s1 =	rddreg [dreg:$0x2];
	s31 =	smul.u32 $0xC800, s5;
	s11 =	sshrl.u32 s10, $0x1  }
0x9: {  	s3 =	sadd.s32 s2, s29;
	s2 =	simm.s32 $0x0;
	s7 =	sadd.s32 s9, s7  }
0xa: {  	s10 =	ssub.s32 s10, s11;
	s9 =	sadd.s32 s30, s6;
	s11 =	simm.s32 $0x60  }
0xb: {  	s3 =	sor.u32 $0x10, s3;
	[smem:$0x7FF] =	sst s2;
	s7 =	sor.u32 $0x500, s7  }
0xc: {  	s5 =	smax.u32 s10, $0x1;
	s10 =	simm.s32 $0x2;
	s3 =	sshrl.u32 s3, $0x3  }
0xd: {  	_ =	strace $0x8000004A;
	s7 =	sshrl.u32 s7, $0x3;
	s8 =	sadd.s32 s3, s4  }
0xe: {  	s3 =	sadd.s32 $0x7A2000, s4;
	s4 =	sadd.s32 $0xF49600, s4;
	s6 =	sadd.s32 s7, s6  }
0xf: {  	s7 =	sadd.s32 $0xF43200, s8;
	s8 =	sadd.s32 s31, s9;
	s9 =	simm.s32 $0x2EB8  }
.LBB2_1:
0x10: {  	[tilespmem:s9], [sflag:$0x2] =	stream.linear.gather [hbm4b:s4+s2], $0x500, $0x38;
	[tilespmem:$0x33B8] =	vst v63  }
0x11: {  	_ =	swait.ge [sflag:s10], $0x500  }
0x12: {  	[sflag:s10] =	ssyncset.done $0x0  }
0x13: {  	[sflag:s10] =	ssyncadd.s32 $0xFFFFFB00  }
0x14: {  	[tilespmem:s2], [sflag:$0x2] =	stream.linear.gather [hbm4b:s7+s2], $0xB8, $0x38;
	[tilespmem:$0x33B8] =	vst v63  }
0x15: {  	_ =	swait.ge [sflag:s10], $0xB8  }
0x16: {  	[sflag:s10] =	ssyncset.done $0x0  }
0x17: {  	[sflag:s10] =	ssyncadd.s32 $0xFFFFFF48  }
0x18: {  	[tilespmem:s12], [sflag:$0x1] =	stream.indirect.gather [hbm4b:s3+s11], $0x40, s2, s11, $0xb8;
	[tilespmem:$0x33B8] =	vst v63  }
0x19: {  	_ = 	snop  }
0x1a: {  	[tilespmem:s14], [sflag:$0x1] =	stream.indirect.gather [hbm4b:s3+s13], $0x40, s11, s13, $0xb8;
	[tilespmem:$0x33B8] =	vst v63  }
0x1b: {  	s18 =	sadd.s32 $0x0, s8  }
0x1c: {  	[hbm4b:s18+s2] =	stream.linear.scatter [tilespmem:s9], [sflag:$0x2], $0x500, $0x38;
	[tilespmem:$0x33B8] =	vst v63  }
0x1d: {  	_ =	swait.ge [sflag:s10], $0x500  }
0x1e: {  	[sflag:s10] =	ssyncset.done $0x0  }
0x1f: {  	[sflag:s10] =	ssyncadd.s32 $0xFFFFFB00  }
0x20: {  	_ =	swait.ge [sflag:s15], $0x1800  }
0x21: {  	[sflag:s15] =	ssyncset.done $0x0  }
0x22: {  	[sflag:s15] =	ssyncadd.s32 $0xFFFFE800  }
0x23: {  	_ =	swait.ge [sflag:s15], $0x1600  }
0x24: {  	[sflag:s15] =	ssyncset.done $0x0  }
0x25: {  	s31 =	sadd.s32 $0x0, s6;
	[sflag:s15] =	ssyncadd.s32 $0xFFFFEA00  }
0x26: {  	[hbm4b:s31+s2] =	stream.linear.scatter [tilespmem:s16], [sflag:$0x2], $0x2D00, $0x38;
	[tilespmem:$0x33B8] =	vst v63  }
0x27: {  	_ =	swait.ge [sflag:s10], $0x2D00  }
0x28: {  	s19 =	smov.u32 s7;
	s18 =	simm.s32 $0x640;
	[sflag:s10] =	ssyncset.done $0x0  }
.LBB2_2:
0x29: {  	p0 =	sne.s32 s18, $0xC1C0;
	[sflag:s10] =	ssyncadd.s32 $0xFFFFD300;
	s19 =	sadd.s32 $0x19, s19  }
0x2a: {  	[tilespmem:s2], [sflag:$0x2] =	stream.linear.gather [hbm4b:s19+s2], $0xB8, $0x38;
	[tilespmem:$0x33B8] =	vst v63  }
0x2b: {  	s20 =	smov.u32 s18;
	s18 =	sadd.s32 $0x640, s18;
	_ =	swait.ge [sflag:s10], $0xB8  }
0x2c: {  	[sflag:s10] =	ssyncset.done $0x0  }
0x2d: {  	[sflag:s10] =	ssyncadd.s32 $0xFFFFFF48  }
0x2e: {  	[tilespmem:s12], [sflag:$0x1] =	stream.indirect.gather [hbm4b:s3+s11], $0x40, s2, s11, $0xb8;
	[tilespmem:$0x33B8] =	vst v63  }
0x2f: {  	_ = 	snop  }
0x30: {  	[tilespmem:s14], [sflag:$0x1] =	stream.indirect.gather [hbm4b:s3+s13], $0x40, s11, s13, $0xb8;
	[tilespmem:$0x33B8] =	vst v63  }
0x31: {  	s21 =	sadd.s32 s20, s8  }
0x32: {  	[hbm4b:s21+s2] =	stream.linear.scatter [tilespmem:s9], [sflag:$0x2], $0x500, $0x38;
	[tilespmem:$0x33B8] =	vst v63  }
0x33: {  	_ =	swait.ge [sflag:s10], $0x500  }
0x34: {  	[sflag:s10] =	ssyncset.done $0x0  }
0x35: {  	[sflag:s10] =	ssyncadd.s32 $0xFFFFFB00  }
0x36: {  	_ =	swait.ge [sflag:s15], $0x1800  }
0x37: {  	[sflag:s15] =	ssyncset.done $0x0  }
0x38: {  	[sflag:s15] =	ssyncadd.s32 $0xFFFFE800  }
0x39: {  	_ =	swait.ge [sflag:s15], $0x1600  }
.Ltmp0:
0x3a: {  	[sflag:s15] =	ssyncset.done $0x0;
	(pc) =	sbr.rel @p0 .LBB2_2-.Ltmp0, $4  }
0x3b: {  	s20 =	sadd.s32 s20, s6;
	[sflag:s15] =	ssyncadd.s32 $0xFFFFEA00  }
0x3c: {  	[hbm4b:s20+s2] =	stream.linear.scatter [tilespmem:s16], [sflag:$0x2], $0x2D00, $0x38;
	[tilespmem:$0x33B8] =	vst v63  }
0x3d: {  	_ =	swait.ge [sflag:s10], $0x2D00  }
0x3e: {  	[sflag:s10] =	ssyncset.done $0x0  }
0x3f: {  	s17 =	sadd.s32 $0x1, s17  }
0x40: {  	p0 =	sne.s32 s17, s5  }
.Ltmp1:
0x41: {  	_ = 	snop;
	(pc) =	sbr.rel @p0 .LBB2_1-.Ltmp1, $2  }
0x42: {  	_ =	sdelay $0x2  }
0x43: {  	[sflag:s10] =	ssyncadd.s32 $0xFFFFD300  }
0x44: {  	_ =	sfence.sel $0x180000  }
0x45: {  	[bflag:$0x0] =	sbarrier.arrive $0xFFFF  }
0x46: {  	p0 =	sne.s32 s0, $0x0;
	_ =	strace $0x9000004A  }
0x47: {  	s0 =	sadd.s32 @!p0 $0x100000, s1;
	[bflag:$0x2] =	sbarrier.arrive $0xFFFF  }
0x48: {  	[sflag:s0] =	ssyncadd.tile.s32 @!p0 $0x1;
	_ =	shalt  }
.Lfunc_end2:
_tile_overlayer_lowered:
.L_overlay_start_2:
0x49: {  	(tag) =	ssettag $0x2  }
0x4a: {  	s0 =	rddreg [dreg:$0x0];
	s2 =	stileid.u32  }
0x4b: {  	s1 =	rddreg [dreg:$0x1];
	p0 =	sne.s32 s2, $0x0  }
0x4c: {  	s3 =	rddreg [dreg:$0x2];
	[bflag:$0x3] =	sbarrier.arrive $0xFFFF;
	s2 =	simm.s32 @!p0 $0x1C02  }
0x4d: {  	[timem:s3], [sflag:s2] =	dma.local @!p0 [hbm:s0], s1  }
0x4e: {  	s0 =	simm.s32 @!p0 $0x2  }
0x4f: {  	_ =	swait.ge @!p0 [sflag:s0], s1  }
0x50: {  	s1 =	ssub.s32 @!p0 $0x0, s1;
	[sflag:s0] =	ssyncset.done @!p0 $0x0  }
0x51: {  	[sflag:s0] =	ssyncadd.s32 @!p0 s1  }
0x52: {  	[bflag:$0x3] =	sbarrier.arrive $0xFFFF  }
0x53: {  	_ =	shalt  }

// kernel: sparse-core-data-format-call.cloned.1.call-start
scs
called_computation_lowered:
.L_overlay_start_0:
0x0: {  	s2 =	sld [smem:$0x3FD9]  }
0x1: {  	s3 =	sld [smem:$0x3FFE];
	_ =	sdelay $0x1  }
0x2: {  	s1 =	srdreg.scid  }
0x3: {  	s0 =	sand.u32 $0x1, s1  }
0x4: {  	s18 =	sshll.u32 s0, $0xA;
	s2 =	sadd.s32 s3, s2  }
0x5: {  	s2 =	sadd.s32 s2, s18  }
0x6: {  	[smem:$0x3FC5] =	sst s2  }
0x7: {  	_ = 	snop  }
0x8: {  	s2 =	sld [smem:$0x3FD0];
	(tm) =	ssettm $0x1  }
0x9: {  	s19 =	sld [smem:$0x3FFB];
	_ =	sdelay $0x3  }
0xa: {  	_ =	strace s19  }
0xb: {  	s3 =	sld [smem:$0x3FFC];
	_ =	sdelay $0x3  }
0xc: {  	_ =	strace s3  }
0xd: {  	s3 =	sld [smem:$0x3FFD];
	_ =	sdelay $0x3  }
0xe: {  	_ =	strace s3  }
0xf: {  	_ =	strace $0x8FFFFFFF  }
0x10: {  	s20 =	sld [smem:$0x3FDB];
	_ =	sdelay $0x1  }
0x11: {  	s4 =	simm.s32 $_scs_section_size  }
0x12: {  	s5 =	simm.s32 $_size__tile_overlayer_lowered;
	s6 =	simm.s32 $_tile_overlayer_lowered  }
0x13: {  	s23 =	simm.s32 $0x1BFF;
	s22 =	sshll.u32 s6, $0x1;
	s3 =	sadd.s32 s4, s20  }
0x14: {  	s7 =	simm.s32 $0x0;
	s21 =	sshll.u32 s5, $0x1;
	s5 =	sadd.s32 s22, s3  }
0x15: {  	[timem:s7], [sflag:s23] =	dma.local [hbm:s5], s21  }
0x16: {  	_ =	swait.ge [sflag:s23], s21  }
0x17: {  	s4 =	ssub.s32 $0x0, s21;
	[sflag:s23] =	ssyncset.done $0x0  }
0x18: {  	[sflag:s23] =	ssyncadd.s32 s4;
	_ =	sdelay $0x1  }
0x19: {  	s24 =	simm.s32 $0x1B8B  }
0x1a: {  	_ =	swait.ge [sflag:s24], $0x1  }
0x1b: {  	[sflag:s24] =	ssyncset.done $0x0  }
0x1c: {  	s26 =	simm.s32 $0x1B8E;
	s25 =	sld [smem:$0x3FFE];
	[sflag:s24] =	ssyncadd.s32 $0xFFFFFFFF  }
0x1d: {  	s27 =	simm.s32 $execute0_lowered;
	[smem:$0x3FD2] =	sst s26  }
0x1e: {  	s5 =	sshll.u32 s27, $0x1;
	_ =	strace $0x8000004C;
	[dreg:$0x1] =	wrdreg $0xFFFFFFFF  }
0x1f: {  	s28 =	simm.s32 $_size_execute0_lowered;
	s3 =	sadd.s32 s3, s5;
	[dreg:$0x0] =	wrdreg $0x0  }
0x20: {  	s5 =	sshll.u32 s28, $0x1;
	[dreg:$0x2] =	wrdreg s3  }
0x21: {  	[dreg:$0x3] =	wrdreg s5  }
0x22: {  	[dreg:$0x4] =	wrdreg $0xC0  }
0x23: {  	_ =	task [dreg:s7], $0x5FFFF  }
0x24: {  	[dreg:$0x1] =	wrdreg $0xFFFFFFFF  }
0x25: {  	[dreg:$0x0] =	wrdreg $0x60  }
0x26: {  	[dreg:$0x2] =	wrdreg s25  }
0x27: {  	[dreg:$0x3] =	wrdreg s2  }
0x28: {  	[dreg:$0x4] =	wrdreg $0x9  }
0x29: {  	_ =	task.clear_ibuf [dreg:s7], $0x5FFFF;
	_ =	strace $0x9000004C  }
0x2a: {  	s29 =	simm.s32 $0x9;
	_ =	strace $0x8000004E  }
0x2b: {  	_ =	swait.ge [sflag:s29], $0x1  }
0x2c: {  	[sflag:s29] =	ssyncadd.s32 $0xFFFFFFFF  }
0x2d: {  	_ =	strace $0x9000004E  }
0x2e: {  	_ =	sfence  }
0x2f: {  	s30 =	sld [smem:$0x0];
	_ =	sdelay $0x2  }
0x30: {  	s31 =	sshll.u32 s1, $0xD;
	s1 =	sshrl.u32 s1, $0x2  }
0x31: {  	s3 =	sand.u32 $0x4000, s31;
	s1 =	sadd.s32 s1, s30  }
0x32: {  	s0 =	sor.u32 s3, s0;
	s1 =	sshll.u32 s1, $0x11  }
0x33: {  	s0 =	sor.u32 s1, s0  }
0x34: {  	s0 =	sadd.s32 $0x8F2B, s0  }
0x35: {  	[sflag:s0] =	ssyncadd.remote.s32 $0x1  }
0x36: {  	_ =	sfence.sel $0xFFFF  }
0x37: {  	[dreg:$0x0] =	wrdreg $0xFFFFFFFF;
	(pc) =	sbr.abs _section_cstart, $3  }
0x38: {  	[dreg:$0x1] =	wrdreg $0xFFFFFFFF  }
0x39: {  	_ =	task.clear_ibuf [dreg:s7], $0x2FFFF;
	_ =	strace $0x9FFFFFFF  }
0x3a: {  	(tm) =	ssettm $0x7FFFFFFF  }
0x3b: {  	_ =	shalt  }
tec
execute0_lowered:
.L_overlay_start_1:
0x0: {  	(tag) =	ssettag $0x1  }
0x1: {  	s0 =	stileid.u32;
	s6 =	rddreg [dreg:$0x0]  }
0x2: {  	s2 =	rddreg [dreg:$0x1];
	s5 =	srdreg.scid  }
0x3: {  	s31 =	simm.s32 $0x2;
	s13 =	simm.s32 $0x0;
	s1 =	sshll.u32 s0, $0x7  }
0x4: {  	s14 =	simm.s32 $0x0;
	s12 =	simm.s32 $0x0;
	s3 =	sand.u32 $0x380, s1  }
0x5: {  	s5 =	sshll.u32 s5, $0x4;
	s6 =	sadd.s32 $0xE00, s6;
	s4 =	ssub.s32 $0x400, s3  }
0x6: {  	s1 =	rddreg [dreg:$0x2];
	_ =	strace $0x8000004D;
	s7 =	sand.u32 $0x380, s4  }
0x7: {  	s5 =	sand.u32 $0x10, s5;
	p0 =	sne.s32 s7, $0x0;
	s7 =	simm.s32 $0x1  }
.Ltmp0:
0x8: {  	s8 =	sshrl.u32 s4, $0xA;
	s7 =	simm.s32 @!p0 $0x0;
	(pc) =	sbr.rel .LBB1_1-.Ltmp0, $4  }
0x9: {  	s9 =	sor.u32 s0, s5;
	s4 =	simm.s32 $0x1;
	s30 =	sadd.s32 s7, s8  }
0xa: {  	s11 =	smov.u32 s3;
	[sflag:s4] =	ssyncpa.u1 $0x0;
	s5 =	smul.u32 $0x32, s30  }
0xb: {  	[sflag:s31] =	ssyncpa.u1 $0x0;
	p0 =	por $0x0, $0x0;
	s7 =	sshrl.u32 s9, $0x3  }
0xc: {  	s9 =	simm.s32 $0x2000;
	s10 =	smov.u32 s7;
	s8 =	sor.u32 $0x1, s5  }
.LBB1_4:
0xd: {  	s17 =	sand.u32 $0x1F80, s14;
	s13 =	sshll.u32 s13, $0xD  }
0xe: {  	[tilespmem:s16+$0x810 ss:$0x81] =	vst.msk $0xffff, v2;
	s18 =	sshrl.u32 s14, $0x3;
	s31 =	sand.u32 $0x7, s14;
	s17 =	sadd.s32 s2, s17  }
0xf: {  	[tilespmem:s16+$0x1020 ss:$0x81] =	vst.msk $0xffff, v0;
	s18 =	sand.u32 $0xF, s18;
	s14 =	sshll.u32 s31, $0x12;
	s13 =	sadd.s32 s13, s17  }
0x10: {  	[tilespmem:s16+$0x0 ss:$0x81] =	vst.msk $0xffff, v1;
	s14 =	sor.u32 $0x400, s14;
	s13 =	sadd.s32 s18, s13  }
0x11: {  	[hbm4b:s13+s14] =	stream.strided.scatter [tilespmem:s15], [sflag:$0x2], $0x2000, s9, s14, $0x20;
	[tilespmem:$0x8080] =	vst v63  }
.LBB1_5:
0x12: {  	s15 =	sadd.s32 $0x4, s10  }
0x13: {  	s13 =	sadd.s32 $0x400, s11;
	s17 =	smov.u32 s11;
	p2 =	sgt.s32 s15, $0xC7  }
0x14: {  	s17 =	smov.u32 @p2 s13  }
0x15: {  	s15 =	smov.u32 @p2 s7;
	p2 =	sgt.s32 s17, $0x3FF  }
0x16: {  	s17 =	smov.u32 @p2 s3;
	p2 =	sne.s32 s12, s8  }
.Ltmp1:
0x17: {  	p1 =	slt.u32 s12, $0x2;
	(pc) =	sbr.rel @!p2 .LBB1_6-.Ltmp1, $4  }
0x18: {  	s16 =	simm.s32 @!p1 $0x2  }
0x19: {  	s14 =	smov.u32 s11;
	p0 =	por !p0, !p0;
	_ =	swait.ge @!p1 [sflag:s16], $0x2000  }
0x1a: {  	s13 =	smov.u32 s10;
	[sflag:s16] =	ssyncset.done @!p1 $0x0;
	s10 =	smov.u32 s15  }
0x1b: {  	s12 =	sadd.s32 $0x1, s12;
	[sflag:s16] =	ssyncadd.s32 @!p1 $0xFFFFE000;
	s11 =	smov.u32 s17  }
.LBB1_1:
0x1c: {  	p1 =	sge.u32 s12, s5  }
0x1d: {  	s15 =	sand.u32 @!p1 $0x1FFFFFF, s10  }
0x1e: {  	s16 =	smulhi.u32 @!p1 $0x147AE15, s15;
	_ =	sdelay $0x1  }
0x1f: {  	s16 =	smul.u32 @!p1 $0xC8, s16  }
0x20: {  	s17 =	sxor.u32 @!p1 $0xFFFFFFFF, s12;
	s18 =	smul.u32 @!p1 $0xC80, s11  }
0x21: {  	s31 =	sadd.s32 $0xFFFFFFFF, s12;
	s17 =	sshll.u32 @!p1 s17, $0xD;
	s15 =	ssub.s32 @!p1 s15, s16  }
0x22: {  	s16 =	sand.u32 @!p1 $0x2000, s17;
	s17 =	sadd.s32 @!p1 s6, s18;
	s15 =	sshll.u32 @!p1 s15, $0x4  }
0x23: {  	s18 =	simm.s32 @!p1 $0x6400;
	s15 =	sadd.s32 @!p1 s15, s17;
	s17 =	simm.s32 @!p1 $0x40  }
0x24: {  	[tilespmem:s16], [sflag:$0x1] =	stream.strided.gather @!p1 [hbm4b:s15+s17], $0x2000, s18, s17, $0x38;
	[tilespmem:$0x8080] =	vst v63  }
0x25: {  	p1 =	sge.u32 s31, s5  }
.Ltmp2:
0x26: {  	_ = 	snop;
	(pc) =	sbr.rel @p1 .LBB1_5-.Ltmp2, $1  }
0x27: {  	_ =	sdelay $0x3  }
0x28: {  	s15 =	simm.s32 $0x1  }
0x29: {  	_ =	swait.ge [sflag:s4], $0x2000;
	s15 =	simm.s32 @!p0 $0x0  }
0x2a: {  	[sflag:s4] =	ssyncset.done $0x0;
	s16 =	sshll.u32 s15, $0xD  }
0x2b: {  	[sflag:s4] =	ssyncadd.s32 $0xFFFFE000;
	s19 =	sor.u32 $0x20, s16  }
0x2c: {  	s15 =	smul.u32 $0x8100, s15;
	v3 =	vld [tilespmem:s19+$0x10]  }
0x2d: {  	s30 =	sand.u32 $0x1, s12;
	v2 =	vld [tilespmem:s19+$0xFFFFFFF0]  }
0x2e: {  	s16 =	smul.u32 $0x8100, s30;
	s15 =	sshrl.u32 s15, $0x2;
	v0 =	vld [tilespmem:s19+$0x0]  }
0x2f: {  	v1 =	vld [tilespmem:s19+$0xFFFFFFE0];
	s17 =	sor.u32 $0x4000, s15  }
0x30: {  	s31 =	sshrl.u32 s16, $0x2;
	s16 =	sadd.s32 $0x0, s17  }
0x31: {  	s18 =	simm.s32 $0x4;
	s19 =	sadd.s32 $0x40, s19;
	s15 =	sor.u32 $0x4000, s31;
	[tilespmem:s16+$0x1830 ss:$0x81] =	vst.msk $0xffff, v3  }
.LBB1_3:
0x32: {  	v3 =	vld [tilespmem:s19+$0x10];
	p1 =	sne.s32 s18, $0x1FC;
	[tilespmem:s16+$0x810 ss:$0x81] =	vst.msk $0xffff, v2;
	s20 =	smov.u32 s18;
	s18 =	sadd.s32 $0x4, s18  }
.Ltmp3:
0x33: {  	v2 =	vld [tilespmem:s19+$0xFFFFFFF0];
	[tilespmem:s16+$0x1020 ss:$0x81] =	vst.msk $0xffff, v0;
	(pc) =	sbr.rel @p1 .LBB1_3-.Ltmp3, $4  }
0x34: {  	v0 =	vld [tilespmem:s19+$0x0];
	[tilespmem:s16+$0x0 ss:$0x81] =	vst.msk $0xffff, v1  }
0x35: {  	s16 =	sshra.s32 s20, $0x2;
	v1 =	vld [tilespmem:s19+$0xFFFFFFE0]  }
0x36: {  	s16 =	sadd.s32 s16, s17  }
0x37: {  	s19 =	sadd.s32 $0x40, s19;
	[tilespmem:s16+$0x1830 ss:$0x81] =	vst.msk $0xffff, v3  }
.Ltmp4:
0x38: {  	_ = 	snop;
	(pc) =	sbr.rel .LBB1_4-.Ltmp4, $1  }
0x39: {  	_ =	sdelay $0x3  }
.LBB1_6:
0x3a: {  	_ =	sfence.sel $0x180000  }
0x3b: {  	s2 =	simm.s32 $0x1;
	[bflag:$0x0] =	sbarrier.arrive $0xFFFF  }
0x3c: {  	s31 =	simm.s32 $0x2;
	[sflag:s2] =	ssyncpa.u1 $0x1  }
0x3d: {  	[sflag:s31] =	ssyncpa.u1 $0x1  }
0x3e: {  	p0 =	sne.s32 s0, $0x0;
	_ =	strace $0x9000004D  }
0x3f: {  	s0 =	sadd.s32 @!p0 $0x100000, s1;
	[bflag:$0x2] =	sbarrier.arrive $0xFFFF  }
0x40: {  	[sflag:s0] =	ssyncadd.tile.s32 @!p0 $0x1;
	_ =	shalt  }
.Lfunc_end1:
_tile_overlayer_lowered:
.L_overlay_start_2:
0x41: {  	(tag) =	ssettag $0x2  }
0x42: {  	s0 =	rddreg [dreg:$0x0];
	s2 =	stileid.u32  }
0x43: {  	s1 =	rddreg [dreg:$0x1];
	p0 =	sne.s32 s2, $0x0  }
0x44: {  	s3 =	rddreg [dreg:$0x2];
	[bflag:$0x3] =	sbarrier.arrive $0xFFFF;
	s2 =	simm.s32 @!p0 $0x1C01  }
0x45: {  	[timem:s3], [sflag:s2] =	dma.local @!p0 [hbm:s0], s1  }
0x46: {  	s0 =	simm.s32 @!p0 $0x1  }
0x47: {  	_ =	swait.ge @!p0 [sflag:s0], s1  }
0x48: {  	s1 =	ssub.s32 @!p0 $0x0, s1;
	[sflag:s0] =	ssyncset.done @!p0 $0x0  }
0x49: {  	[sflag:s0] =	ssyncadd.s32 @!p0 s1  }
0x4a: {  	[bflag:$0x3] =	sbarrier.arrive $0xFFFF  }
0x4b: {  	_ =	shalt  }

</sc_bundles>
